<compile_context>
chip_gen: v7x
topology: tpu7x:2x2x1
jax: 0.10.2.dev20260603
libtpu: 0.0.44.dev20260713+nightly
codegen_flags: <defaults>
</compile_context>

<pallas_src>
import functools

import jax
import jax.numpy as jnp
from jax import lax
from jax.experimental import pallas as pl
from jax.experimental.pallas import tpu as pltpu
from jax.experimental.pallas import tpu_sc as plsc

B = 16384
D = 32
NC = 2
NS = 16
NW = NC * NS
BPW = B // NW
CH = 128
NCH = BPW // CH


def _glove_lookup(i, j, W, b):
    mesh = plsc.VectorSubcoreMesh(core_axis_name="c", subcore_axis_name="s")

    @functools.partial(
        pl.kernel,
        mesh=mesh,
        compiler_params=pltpu.CompilerParams(use_tc_tiling_on_sc=False),
        out_type=(
            jax.ShapeDtypeStruct((B, D), jnp.float32),
            jax.ShapeDtypeStruct((B, D), jnp.float32),
            jax.ShapeDtypeStruct((B,), jnp.float32),
            jax.ShapeDtypeStruct((B,), jnp.float32),
        ),
        scratch_types=[
            pltpu.VMEM((BPW,), jnp.int32),
            pltpu.VMEM((BPW,), jnp.int32),
            pltpu.VMEM((BPW, D), jnp.float32),
            pltpu.VMEM((BPW, D), jnp.float32),
            pltpu.VMEM((BPW,), jnp.float32),
            pltpu.VMEM((BPW,), jnp.float32),
            pltpu.SemaphoreType.DMA,
        ],
    )
    def k(i_hbm, j_hbm, w_hbm, b_hbm,
          wi_hbm, wj_hbm, bi_hbm, bj_hbm,
          idx_i, idx_j, rows_i, rows_j, bv_i, bv_j, sem):
        wid = lax.axis_index("s") * NC + lax.axis_index("c")
        base = wid * BPW
        pltpu.sync_copy(i_hbm.at[pl.ds(base, BPW)], idx_i)
        pltpu.sync_copy(j_hbm.at[pl.ds(base, BPW)], idx_j)
        copies = []
        for c in range(NCH):
            sl = pl.ds(c * CH, CH)
            copies.append(pltpu.async_copy(w_hbm.at[idx_i.at[sl]], rows_i.at[sl], sem))
            copies.append(pltpu.async_copy(w_hbm.at[idx_j.at[sl]], rows_j.at[sl], sem))
            copies.append(pltpu.async_copy(b_hbm.at[idx_i.at[sl]], bv_i.at[sl], sem))
            copies.append(pltpu.async_copy(b_hbm.at[idx_j.at[sl]], bv_j.at[sl], sem))
        for cp in copies:
            cp.wait()
        out_sl = pl.ds(base, BPW)
        pltpu.sync_copy(rows_i, wi_hbm.at[out_sl])
        pltpu.sync_copy(rows_j, wj_hbm.at[out_sl])
        pltpu.sync_copy(bv_i, bi_hbm.at[out_sl])
        pltpu.sync_copy(bv_j, bj_hbm.at[out_sl])

    return k(i, j, W, b)


def kernel(i, j, W, b):
    return _glove_lookup(i, j, W, b)

# --- scband reference (transcript-rebuilt; emitter-appended) ---
"""Pipeline reference for scband-glove-embedding-layer-84859963834462 (READ-ONLY COPY).

The authoritative reference and input builder live on the scoring server;
editing this copy changes nothing except your own understanding.
"""

import jax, jax.numpy as jnp
import numpy as np

CORPUS_SIZE = 1000000
PROP_SIZE = 32
BATCH = 16384


def setup_inputs(seed: int = 0) -> dict:
    key = jax.random.key(seed)
    k1, k2, k3 = jax.random.split(key, 3)
    i = jax.random.randint(k1, (BATCH,), 0, CORPUS_SIZE, dtype=jnp.int64 if jax.config.jax_enable_x64 else jnp.int32).astype(jnp.int32)
    j = jax.random.randint(k2, (BATCH,), 0, CORPUS_SIZE, dtype=jnp.int64 if jax.config.jax_enable_x64 else jnp.int32).astype(jnp.int32)
    # Learned parameters per __init__: W ~ random_normal (stddev 0.05, as in tf.random_normal_initializer), b = zeros
    W = jax.random.normal(k3, (CORPUS_SIZE, PROP_SIZE), dtype=jnp.float32) * 0.05
    b = jnp.zeros((CORPUS_SIZE,), dtype=jnp.float32)
    return {"i": i, "j": j, "W": W, "b": b}


def reference(i, j, W, b):
    # Faithful translation of GloveEmbeddingLayer.call
    w_i = jnp.take(W, i, axis=0)  # tf.nn.embedding_lookup(self.w, i)
    w_j = jnp.take(W, j, axis=0)  # tf.nn.embedding_lookup(self.w, j)
    b_i = jnp.take(b, i, axis=0)  # tf.nn.embedding_lookup(self.b, i)
    b_j = jnp.take(b, j, axis=0)  # tf.nn.embedding_lookup(self.b, j)
    return (w_i, w_j, b_i, b_j)

if __name__ == "__main__":
    import jax
    _d = setup_inputs()
    print(jax.jit(kernel)(*tuple(_d.values())))

</pallas_src>

<mosaic_0001>
#map = affine_map<(d0, d1) -> (0)>
#map1 = affine_map<(d0, d1) -> (0, 0)>
module attributes {stable_mosaic.version = 14 : i64} {
  func.func @k(%arg0: i32, %arg1: i32, %arg2: memref<16384xi32, #tpu.memory_space<hbm>>, %arg3: memref<16384xi32, #tpu.memory_space<hbm>>, %arg4: memref<1000000x32xf32, #tpu.memory_space<hbm>>, %arg5: memref<1000000xf32, #tpu.memory_space<hbm>>, %arg6: memref<16384x32xf32, #tpu.memory_space<hbm>>, %arg7: memref<16384x32xf32, #tpu.memory_space<hbm>>, %arg8: memref<16384xf32, #tpu.memory_space<hbm>>, %arg9: memref<16384xf32, #tpu.memory_space<hbm>>, %arg10: memref<512xi32, #tpu.memory_space<vmem>>, %arg11: memref<512xi32, #tpu.memory_space<vmem>>, %arg12: memref<512x32xf32, #tpu.memory_space<vmem>>, %arg13: memref<512x32xf32, #tpu.memory_space<vmem>>, %arg14: memref<512xf32, #tpu.memory_space<vmem>>, %arg15: memref<512xf32, #tpu.memory_space<vmem>>, %arg16: memref<!tpu.dma_semaphore, #tpu.memory_space<semaphore_mem>>) attributes {dimension_semantics = [#tpu.dimension_semantics<core_parallel>, #tpu.dimension_semantics<subcore_parallel>], iteration_bounds = array<i64: 2, 16>, scalar_prefetch = 0 : i64, scratch_operands = 7 : i64, tpu.core_type = #tpu.core_type<sc_vector_subcore>, window_params = [{transform_indices = #map}, {transform_indices = #map}, {transform_indices = #map1}, {transform_indices = #map}, {transform_indices = #map1}, {transform_indices = #map1}, {transform_indices = #map}, {transform_indices = #map}]} {
    %mul3A = arith.constant 2 : i32
    %mul3A_0 = arith.muli %arg1, %mul3A : i32
    %add3A = arith.addi %mul3A_0, %arg0 : i32
    %mul3A_1 = arith.constant 512 : i32
    %mul3A_2 = arith.muli %add3A, %mul3A_1 : i32
    "tpu.region"() ({
      %run_scoped3A = tpu.sem_alloc : memref<!tpu.dma_semaphore, #tpu.memory_space<semaphore_mem>>
      %dma_start3A_225 = tpu.memref_slice %arg2[%mul3A_2] : memref<16384xi32, #tpu.memory_space<hbm>> -> memref<512xi32, #tpu.memory_space<hbm>>
      %dma_start3A_226 = tpu.memref_slice %arg2[%mul3A_2] : memref<16384xi32, #tpu.memory_space<hbm>> -> memref<512xi32, #tpu.memory_space<hbm>>
      tpu.enqueue_dma source(%dma_start3A_226 : memref<512xi32, #tpu.memory_space<hbm>>) target(%arg10 : memref<512xi32, #tpu.memory_space<vmem>>) target_semaphore(%run_scoped3A : memref<!tpu.dma_semaphore, #tpu.memory_space<semaphore_mem>>)
      %dma_wait3A_227 = tpu.memref_slice %arg2[%mul3A_2] : memref<16384xi32, #tpu.memory_space<hbm>> -> memref<512xi32, #tpu.memory_space<hbm>>
      %dma_wait3A_228 = tpu.memref_slice %arg2[%mul3A_2] : memref<16384xi32, #tpu.memory_space<hbm>> -> memref<512xi32, #tpu.memory_space<hbm>>
      tpu.wait_dma2 semaphore(%run_scoped3A : memref<!tpu.dma_semaphore, #tpu.memory_space<semaphore_mem>>) src(%dma_wait3A_228 : memref<512xi32, #tpu.memory_space<hbm>>) dst(%arg10 : memref<512xi32, #tpu.memory_space<vmem>>)
      tpu.yield
    }) : () -> ()
    "tpu.region"() ({
      %run_scoped3A = tpu.sem_alloc : memref<!tpu.dma_semaphore, #tpu.memory_space<semaphore_mem>>
      %dma_start3A_225 = tpu.memref_slice %arg3[%mul3A_2] : memref<16384xi32, #tpu.memory_space<hbm>> -> memref<512xi32, #tpu.memory_space<hbm>>
      %dma_start3A_226 = tpu.memref_slice %arg3[%mul3A_2] : memref<16384xi32, #tpu.memory_space<hbm>> -> memref<512xi32, #tpu.memory_space<hbm>>
      tpu.enqueue_dma source(%dma_start3A_226 : memref<512xi32, #tpu.memory_space<hbm>>) target(%arg11 : memref<512xi32, #tpu.memory_space<vmem>>) target_semaphore(%run_scoped3A : memref<!tpu.dma_semaphore, #tpu.memory_space<semaphore_mem>>)
      %dma_wait3A_227 = tpu.memref_slice %arg3[%mul3A_2] : memref<16384xi32, #tpu.memory_space<hbm>> -> memref<512xi32, #tpu.memory_space<hbm>>
      %dma_wait3A_228 = tpu.memref_slice %arg3[%mul3A_2] : memref<16384xi32, #tpu.memory_space<hbm>> -> memref<512xi32, #tpu.memory_space<hbm>>
      tpu.wait_dma2 semaphore(%run_scoped3A : memref<!tpu.dma_semaphore, #tpu.memory_space<semaphore_mem>>) src(%dma_wait3A_228 : memref<512xi32, #tpu.memory_space<hbm>>) dst(%arg11 : memref<512xi32, #tpu.memory_space<vmem>>)
      tpu.yield
    }) : () -> ()
    %dma_start3A = arith.constant 0 : i32
    %dma_start3A_3 = arith.constant 0 : i32
    %dma_start3A_4 = tpu.memref_slice %arg12[%dma_start3A, %dma_start3A_3] : memref<512x32xf32, #tpu.memory_space<vmem>> -> memref<128x32xf32, #tpu.memory_space<vmem>>
    %dma_start3A_5 = arith.constant 0 : i32
    %dma_start3A_6 = tpu.memref_slice %arg10[%dma_start3A_5] : memref<512xi32, #tpu.memory_space<vmem>> -> memref<128xi32, #tpu.memory_space<vmem>>
    %dma_start3A_7 = arith.constant 0 : i32
    %dma_start3A_8 = arith.constant 0 : i32
    %dma_start3A_9 = tpu.memref_slice %arg4[%dma_start3A_7, %dma_start3A_8] : memref<1000000x32xf32, #tpu.memory_space<hbm>> -> memref<1000000x32xf32, #tpu.memory_space<hbm>>
    tpu.enqueue_indirect_dma source(%dma_start3A_9 : memref<1000000x32xf32, #tpu.memory_space<hbm>>) target(%dma_start3A_4 : memref<128x32xf32, #tpu.memory_space<vmem>>) offsets(%dma_start3A_6 : memref<128xi32, #tpu.memory_space<vmem>>) semaphore(%arg16 : memref<!tpu.dma_semaphore, #tpu.memory_space<semaphore_mem>>)
    %dma_start3A_10 = arith.constant 0 : i32
    %dma_start3A_11 = arith.constant 0 : i32
    %dma_start3A_12 = tpu.memref_slice %arg13[%dma_start3A_10, %dma_start3A_11] : memref<512x32xf32, #tpu.memory_space<vmem>> -> memref<128x32xf32, #tpu.memory_space<vmem>>
    %dma_start3A_13 = arith.constant 0 : i32
    %dma_start3A_14 = tpu.memref_slice %arg11[%dma_start3A_13] : memref<512xi32, #tpu.memory_space<vmem>> -> memref<128xi32, #tpu.memory_space<vmem>>
    %dma_start3A_15 = arith.constant 0 : i32
    %dma_start3A_16 = arith.constant 0 : i32
    %dma_start3A_17 = tpu.memref_slice %arg4[%dma_start3A_15, %dma_start3A_16] : memref<1000000x32xf32, #tpu.memory_space<hbm>> -> memref<1000000x32xf32, #tpu.memory_space<hbm>>
    tpu.enqueue_indirect_dma source(%dma_start3A_17 : memref<1000000x32xf32, #tpu.memory_space<hbm>>) target(%dma_start3A_12 : memref<128x32xf32, #tpu.memory_space<vmem>>) offsets(%dma_start3A_14 : memref<128xi32, #tpu.memory_space<vmem>>) semaphore(%arg16 : memref<!tpu.dma_semaphore, #tpu.memory_space<semaphore_mem>>)
    %dma_start3A_18 = arith.constant 0 : i32
    %dma_start3A_19 = tpu.memref_slice %arg14[%dma_start3A_18] : memref<512xf32, #tpu.memory_space<vmem>> -> memref<128xf32, #tpu.memory_space<vmem>>
    %dma_start3A_20 = arith.constant 0 : i32
    %dma_start3A_21 = tpu.memref_slice %arg10[%dma_start3A_20] : memref<512xi32, #tpu.memory_space<vmem>> -> memref<128xi32, #tpu.memory_space<vmem>>
    %dma_start3A_22 = arith.constant 0 : i32
    %dma_start3A_23 = tpu.memref_slice %arg5[%dma_start3A_22] : memref<1000000xf32, #tpu.memory_space<hbm>> -> memref<1000000xf32, #tpu.memory_space<hbm>>
    tpu.enqueue_indirect_dma source(%dma_start3A_23 : memref<1000000xf32, #tpu.memory_space<hbm>>) target(%dma_start3A_19 : memref<128xf32, #tpu.memory_space<vmem>>) offsets(%dma_start3A_21 : memref<128xi32, #tpu.memory_space<vmem>>) semaphore(%arg16 : memref<!tpu.dma_semaphore, #tpu.memory_space<semaphore_mem>>)
    %dma_start3A_24 = arith.constant 0 : i32
    %dma_start3A_25 = tpu.memref_slice %arg15[%dma_start3A_24] : memref<512xf32, #tpu.memory_space<vmem>> -> memref<128xf32, #tpu.memory_space<vmem>>
    %dma_start3A_26 = arith.constant 0 : i32
    %dma_start3A_27 = tpu.memref_slice %arg11[%dma_start3A_26] : memref<512xi32, #tpu.memory_space<vmem>> -> memref<128xi32, #tpu.memory_space<vmem>>
    %dma_start3A_28 = arith.constant 0 : i32
    %dma_start3A_29 = tpu.memref_slice %arg5[%dma_start3A_28] : memref<1000000xf32, #tpu.memory_space<hbm>> -> memref<1000000xf32, #tpu.memory_space<hbm>>
    tpu.enqueue_indirect_dma source(%dma_start3A_29 : memref<1000000xf32, #tpu.memory_space<hbm>>) target(%dma_start3A_25 : memref<128xf32, #tpu.memory_space<vmem>>) offsets(%dma_start3A_27 : memref<128xi32, #tpu.memory_space<vmem>>) semaphore(%arg16 : memref<!tpu.dma_semaphore, #tpu.memory_space<semaphore_mem>>)
    %dma_start3A_30 = arith.constant 128 : i32
    %dma_start3A_31 = arith.constant 0 : i32
    %dma_start3A_32 = tpu.memref_slice %arg12[%dma_start3A_30, %dma_start3A_31] : memref<512x32xf32, #tpu.memory_space<vmem>> -> memref<128x32xf32, #tpu.memory_space<vmem>>
    %dma_start3A_33 = arith.constant 128 : i32
    %dma_start3A_34 = tpu.memref_slice %arg10[%dma_start3A_33] : memref<512xi32, #tpu.memory_space<vmem>> -> memref<128xi32, #tpu.memory_space<vmem>>
    %dma_start3A_35 = arith.constant 0 : i32
    %dma_start3A_36 = arith.constant 0 : i32
    %dma_start3A_37 = tpu.memref_slice %arg4[%dma_start3A_35, %dma_start3A_36] : memref<1000000x32xf32, #tpu.memory_space<hbm>> -> memref<1000000x32xf32, #tpu.memory_space<hbm>>
    tpu.enqueue_indirect_dma source(%dma_start3A_37 : memref<1000000x32xf32, #tpu.memory_space<hbm>>) target(%dma_start3A_32 : memref<128x32xf32, #tpu.memory_space<vmem>>) offsets(%dma_start3A_34 : memref<128xi32, #tpu.memory_space<vmem>>) semaphore(%arg16 : memref<!tpu.dma_semaphore, #tpu.memory_space<semaphore_mem>>)
    %dma_start3A_38 = arith.constant 128 : i32
    %dma_start3A_39 = arith.constant 0 : i32
    %dma_start3A_40 = tpu.memref_slice %arg13[%dma_start3A_38, %dma_start3A_39] : memref<512x32xf32, #tpu.memory_space<vmem>> -> memref<128x32xf32, #tpu.memory_space<vmem>>
    %dma_start3A_41 = arith.constant 128 : i32
    %dma_start3A_42 = tpu.memref_slice %arg11[%dma_start3A_41] : memref<512xi32, #tpu.memory_space<vmem>> -> memref<128xi32, #tpu.memory_space<vmem>>
    %dma_start3A_43 = arith.constant 0 : i32
    %dma_start3A_44 = arith.constant 0 : i32
    %dma_start3A_45 = tpu.memref_slice %arg4[%dma_start3A_43, %dma_start3A_44] : memref<1000000x32xf32, #tpu.memory_space<hbm>> -> memref<1000000x32xf32, #tpu.memory_space<hbm>>
    tpu.enqueue_indirect_dma source(%dma_start3A_45 : memref<1000000x32xf32, #tpu.memory_space<hbm>>) target(%dma_start3A_40 : memref<128x32xf32, #tpu.memory_space<vmem>>) offsets(%dma_start3A_42 : memref<128xi32, #tpu.memory_space<vmem>>) semaphore(%arg16 : memref<!tpu.dma_semaphore, #tpu.memory_space<semaphore_mem>>)
    %dma_start3A_46 = arith.constant 128 : i32
    %dma_start3A_47 = tpu.memref_slice %arg14[%dma_start3A_46] : memref<512xf32, #tpu.memory_space<vmem>> -> memref<128xf32, #tpu.memory_space<vmem>>
    %dma_start3A_48 = arith.constant 128 : i32
    %dma_start3A_49 = tpu.memref_slice %arg10[%dma_start3A_48] : memref<512xi32, #tpu.memory_space<vmem>> -> memref<128xi32, #tpu.memory_space<vmem>>
    %dma_start3A_50 = arith.constant 0 : i32
    %dma_start3A_51 = tpu.memref_slice %arg5[%dma_start3A_50] : memref<1000000xf32, #tpu.memory_space<hbm>> -> memref<1000000xf32, #tpu.memory_space<hbm>>
    tpu.enqueue_indirect_dma source(%dma_start3A_51 : memref<1000000xf32, #tpu.memory_space<hbm>>) target(%dma_start3A_47 : memref<128xf32, #tpu.memory_space<vmem>>) offsets(%dma_start3A_49 : memref<128xi32, #tpu.memory_space<vmem>>) semaphore(%arg16 : memref<!tpu.dma_semaphore, #tpu.memory_space<semaphore_mem>>)
    %dma_start3A_52 = arith.constant 128 : i32
    %dma_start3A_53 = tpu.memref_slice %arg15[%dma_start3A_52] : memref<512xf32, #tpu.memory_space<vmem>> -> memref<128xf32, #tpu.memory_space<vmem>>
    %dma_start3A_54 = arith.constant 128 : i32
    %dma_start3A_55 = tpu.memref_slice %arg11[%dma_start3A_54] : memref<512xi32, #tpu.memory_space<vmem>> -> memref<128xi32, #tpu.memory_space<vmem>>
    %dma_start3A_56 = arith.constant 0 : i32
    %dma_start3A_57 = tpu.memref_slice %arg5[%dma_start3A_56] : memref<1000000xf32, #tpu.memory_space<hbm>> -> memref<1000000xf32, #tpu.memory_space<hbm>>
    tpu.enqueue_indirect_dma source(%dma_start3A_57 : memref<1000000xf32, #tpu.memory_space<hbm>>) target(%dma_start3A_53 : memref<128xf32, #tpu.memory_space<vmem>>) offsets(%dma_start3A_55 : memref<128xi32, #tpu.memory_space<vmem>>) semaphore(%arg16 : memref<!tpu.dma_semaphore, #tpu.memory_space<semaphore_mem>>)
    %dma_start3A_58 = arith.constant 256 : i32
    %dma_start3A_59 = arith.constant 0 : i32
    %dma_start3A_60 = tpu.memref_slice %arg12[%dma_start3A_58, %dma_start3A_59] : memref<512x32xf32, #tpu.memory_space<vmem>> -> memref<128x32xf32, #tpu.memory_space<vmem>>
    %dma_start3A_61 = arith.constant 256 : i32
    %dma_start3A_62 = tpu.memref_slice %arg10[%dma_start3A_61] : memref<512xi32, #tpu.memory_space<vmem>> -> memref<128xi32, #tpu.memory_space<vmem>>
    %dma_start3A_63 = arith.constant 0 : i32
    %dma_start3A_64 = arith.constant 0 : i32
    %dma_start3A_65 = tpu.memref_slice %arg4[%dma_start3A_63, %dma_start3A_64] : memref<1000000x32xf32, #tpu.memory_space<hbm>> -> memref<1000000x32xf32, #tpu.memory_space<hbm>>
    tpu.enqueue_indirect_dma source(%dma_start3A_65 : memref<1000000x32xf32, #tpu.memory_space<hbm>>) target(%dma_start3A_60 : memref<128x32xf32, #tpu.memory_space<vmem>>) offsets(%dma_start3A_62 : memref<128xi32, #tpu.memory_space<vmem>>) semaphore(%arg16 : memref<!tpu.dma_semaphore, #tpu.memory_space<semaphore_mem>>)
    %dma_start3A_66 = arith.constant 256 : i32
    %dma_start3A_67 = arith.constant 0 : i32
    %dma_start3A_68 = tpu.memref_slice %arg13[%dma_start3A_66, %dma_start3A_67] : memref<512x32xf32, #tpu.memory_space<vmem>> -> memref<128x32xf32, #tpu.memory_space<vmem>>
    %dma_start3A_69 = arith.constant 256 : i32
    %dma_start3A_70 = tpu.memref_slice %arg11[%dma_start3A_69] : memref<512xi32, #tpu.memory_space<vmem>> -> memref<128xi32, #tpu.memory_space<vmem>>
    %dma_start3A_71 = arith.constant 0 : i32
    %dma_start3A_72 = arith.constant 0 : i32
    %dma_start3A_73 = tpu.memref_slice %arg4[%dma_start3A_71, %dma_start3A_72] : memref<1000000x32xf32, #tpu.memory_space<hbm>> -> memref<1000000x32xf32, #tpu.memory_space<hbm>>
    tpu.enqueue_indirect_dma source(%dma_start3A_73 : memref<1000000x32xf32, #tpu.memory_space<hbm>>) target(%dma_start3A_68 : memref<128x32xf32, #tpu.memory_space<vmem>>) offsets(%dma_start3A_70 : memref<128xi32, #tpu.memory_space<vmem>>) semaphore(%arg16 : memref<!tpu.dma_semaphore, #tpu.memory_space<semaphore_mem>>)
    %dma_start3A_74 = arith.constant 256 : i32
    %dma_start3A_75 = tpu.memref_slice %arg14[%dma_start3A_74] : memref<512xf32, #tpu.memory_space<vmem>> -> memref<128xf32, #tpu.memory_space<vmem>>
    %dma_start3A_76 = arith.constant 256 : i32
    %dma_start3A_77 = tpu.memref_slice %arg10[%dma_start3A_76] : memref<512xi32, #tpu.memory_space<vmem>> -> memref<128xi32, #tpu.memory_space<vmem>>
    %dma_start3A_78 = arith.constant 0 : i32
    %dma_start3A_79 = tpu.memref_slice %arg5[%dma_start3A_78] : memref<1000000xf32, #tpu.memory_space<hbm>> -> memref<1000000xf32, #tpu.memory_space<hbm>>
    tpu.enqueue_indirect_dma source(%dma_start3A_79 : memref<1000000xf32, #tpu.memory_space<hbm>>) target(%dma_start3A_75 : memref<128xf32, #tpu.memory_space<vmem>>) offsets(%dma_start3A_77 : memref<128xi32, #tpu.memory_space<vmem>>) semaphore(%arg16 : memref<!tpu.dma_semaphore, #tpu.memory_space<semaphore_mem>>)
    %dma_start3A_80 = arith.constant 256 : i32
    %dma_start3A_81 = tpu.memref_slice %arg15[%dma_start3A_80] : memref<512xf32, #tpu.memory_space<vmem>> -> memref<128xf32, #tpu.memory_space<vmem>>
    %dma_start3A_82 = arith.constant 256 : i32
    %dma_start3A_83 = tpu.memref_slice %arg11[%dma_start3A_82] : memref<512xi32, #tpu.memory_space<vmem>> -> memref<128xi32, #tpu.memory_space<vmem>>
    %dma_start3A_84 = arith.constant 0 : i32
    %dma_start3A_85 = tpu.memref_slice %arg5[%dma_start3A_84] : memref<1000000xf32, #tpu.memory_space<hbm>> -> memref<1000000xf32, #tpu.memory_space<hbm>>
    tpu.enqueue_indirect_dma source(%dma_start3A_85 : memref<1000000xf32, #tpu.memory_space<hbm>>) target(%dma_start3A_81 : memref<128xf32, #tpu.memory_space<vmem>>) offsets(%dma_start3A_83 : memref<128xi32, #tpu.memory_space<vmem>>) semaphore(%arg16 : memref<!tpu.dma_semaphore, #tpu.memory_space<semaphore_mem>>)
    %dma_start3A_86 = arith.constant 384 : i32
    %dma_start3A_87 = arith.constant 0 : i32
    %dma_start3A_88 = tpu.memref_slice %arg12[%dma_start3A_86, %dma_start3A_87] : memref<512x32xf32, #tpu.memory_space<vmem>> -> memref<128x32xf32, #tpu.memory_space<vmem>>
    %dma_start3A_89 = arith.constant 384 : i32
    %dma_start3A_90 = tpu.memref_slice %arg10[%dma_start3A_89] : memref<512xi32, #tpu.memory_space<vmem>> -> memref<128xi32, #tpu.memory_space<vmem>>
    %dma_start3A_91 = arith.constant 0 : i32
    %dma_start3A_92 = arith.constant 0 : i32
    %dma_start3A_93 = tpu.memref_slice %arg4[%dma_start3A_91, %dma_start3A_92] : memref<1000000x32xf32, #tpu.memory_space<hbm>> -> memref<1000000x32xf32, #tpu.memory_space<hbm>>
    tpu.enqueue_indirect_dma source(%dma_start3A_93 : memref<1000000x32xf32, #tpu.memory_space<hbm>>) target(%dma_start3A_88 : memref<128x32xf32, #tpu.memory_space<vmem>>) offsets(%dma_start3A_90 : memref<128xi32, #tpu.memory_space<vmem>>) semaphore(%arg16 : memref<!tpu.dma_semaphore, #tpu.memory_space<semaphore_mem>>)
    %dma_start3A_94 = arith.constant 384 : i32
    %dma_start3A_95 = arith.constant 0 : i32
    %dma_start3A_96 = tpu.memref_slice %arg13[%dma_start3A_94, %dma_start3A_95] : memref<512x32xf32, #tpu.memory_space<vmem>> -> memref<128x32xf32, #tpu.memory_space<vmem>>
    %dma_start3A_97 = arith.constant 384 : i32
    %dma_start3A_98 = tpu.memref_slice %arg11[%dma_start3A_97] : memref<512xi32, #tpu.memory_space<vmem>> -> memref<128xi32, #tpu.memory_space<vmem>>
    %dma_start3A_99 = arith.constant 0 : i32
    %dma_start3A_100 = arith.constant 0 : i32
    %dma_start3A_101 = tpu.memref_slice %arg4[%dma_start3A_99, %dma_start3A_100] : memref<1000000x32xf32, #tpu.memory_space<hbm>> -> memref<1000000x32xf32, #tpu.memory_space<hbm>>
    tpu.enqueue_indirect_dma source(%dma_start3A_101 : memref<1000000x32xf32, #tpu.memory_space<hbm>>) target(%dma_start3A_96 : memref<128x32xf32, #tpu.memory_space<vmem>>) offsets(%dma_start3A_98 : memref<128xi32, #tpu.memory_space<vmem>>) semaphore(%arg16 : memref<!tpu.dma_semaphore, #tpu.memory_space<semaphore_mem>>)
    %dma_start3A_102 = arith.constant 384 : i32
    %dma_start3A_103 = tpu.memref_slice %arg14[%dma_start3A_102] : memref<512xf32, #tpu.memory_space<vmem>> -> memref<128xf32, #tpu.memory_space<vmem>>
    %dma_start3A_104 = arith.constant 384 : i32
    %dma_start3A_105 = tpu.memref_slice %arg10[%dma_start3A_104] : memref<512xi32, #tpu.memory_space<vmem>> -> memref<128xi32, #tpu.memory_space<vmem>>
    %dma_start3A_106 = arith.constant 0 : i32
    %dma_start3A_107 = tpu.memref_slice %arg5[%dma_start3A_106] : memref<1000000xf32, #tpu.memory_space<hbm>> -> memref<1000000xf32, #tpu.memory_space<hbm>>
    tpu.enqueue_indirect_dma source(%dma_start3A_107 : memref<1000000xf32, #tpu.memory_space<hbm>>) target(%dma_start3A_103 : memref<128xf32, #tpu.memory_space<vmem>>) offsets(%dma_start3A_105 : memref<128xi32, #tpu.memory_space<vmem>>) semaphore(%arg16 : memref<!tpu.dma_semaphore, #tpu.memory_space<semaphore_mem>>)
    %dma_start3A_108 = arith.constant 384 : i32
    %dma_start3A_109 = tpu.memref_slice %arg15[%dma_start3A_108] : memref<512xf32, #tpu.memory_space<vmem>> -> memref<128xf32, #tpu.memory_space<vmem>>
    %dma_start3A_110 = arith.constant 384 : i32
    %dma_start3A_111 = tpu.memref_slice %arg11[%dma_start3A_110] : memref<512xi32, #tpu.memory_space<vmem>> -> memref<128xi32, #tpu.memory_space<vmem>>
    %dma_start3A_112 = arith.constant 0 : i32
    %dma_start3A_113 = tpu.memref_slice %arg5[%dma_start3A_112] : memref<1000000xf32, #tpu.memory_space<hbm>> -> memref<1000000xf32, #tpu.memory_space<hbm>>
    tpu.enqueue_indirect_dma source(%dma_start3A_113 : memref<1000000xf32, #tpu.memory_space<hbm>>) target(%dma_start3A_109 : memref<128xf32, #tpu.memory_space<vmem>>) offsets(%dma_start3A_111 : memref<128xi32, #tpu.memory_space<vmem>>) semaphore(%arg16 : memref<!tpu.dma_semaphore, #tpu.memory_space<semaphore_mem>>)
    %dma_wait3A = arith.constant 0 : i32
    %dma_wait3A_114 = arith.constant 0 : i32
    %dma_wait3A_115 = tpu.memref_slice %arg12[%dma_wait3A, %dma_wait3A_114] : memref<512x32xf32, #tpu.memory_space<vmem>> -> memref<128x32xf32, #tpu.memory_space<vmem>>
    %dma_wait3A_116 = arith.constant 0 : i32
    %dma_wait3A_117 = tpu.memref_slice %arg10[%dma_wait3A_116] : memref<512xi32, #tpu.memory_space<vmem>> -> memref<128xi32, #tpu.memory_space<vmem>>
    %dma_wait3A_118 = arith.constant 0 : i32
    %dma_wait3A_119 = arith.constant 0 : i32
    %dma_wait3A_120 = tpu.memref_slice %arg4[%dma_wait3A_118, %dma_wait3A_119] : memref<1000000x32xf32, #tpu.memory_space<hbm>> -> memref<1000000x32xf32, #tpu.memory_space<hbm>>
    tpu.wait_indirect_dma semaphore(%arg16 : memref<!tpu.dma_semaphore, #tpu.memory_space<semaphore_mem>>) src(%dma_wait3A_120 : memref<1000000x32xf32, #tpu.memory_space<hbm>>) dst(%dma_wait3A_115 : memref<128x32xf32, #tpu.memory_space<vmem>>)
    %dma_wait3A_121 = arith.constant 0 : i32
    %dma_wait3A_122 = arith.constant 0 : i32
    %dma_wait3A_123 = tpu.memref_slice %arg13[%dma_wait3A_121, %dma_wait3A_122] : memref<512x32xf32, #tpu.memory_space<vmem>> -> memref<128x32xf32, #tpu.memory_space<vmem>>
    %dma_wait3A_124 = arith.constant 0 : i32
    %dma_wait3A_125 = tpu.memref_slice %arg11[%dma_wait3A_124] : memref<512xi32, #tpu.memory_space<vmem>> -> memref<128xi32, #tpu.memory_space<vmem>>
    %dma_wait3A_126 = arith.constant 0 : i32
    %dma_wait3A_127 = arith.constant 0 : i32
    %dma_wait3A_128 = tpu.memref_slice %arg4[%dma_wait3A_126, %dma_wait3A_127] : memref<1000000x32xf32, #tpu.memory_space<hbm>> -> memref<1000000x32xf32, #tpu.memory_space<hbm>>
    tpu.wait_indirect_dma semaphore(%arg16 : memref<!tpu.dma_semaphore, #tpu.memory_space<semaphore_mem>>) src(%dma_wait3A_128 : memref<1000000x32xf32, #tpu.memory_space<hbm>>) dst(%dma_wait3A_123 : memref<128x32xf32, #tpu.memory_space<vmem>>)
    %dma_wait3A_129 = arith.constant 0 : i32
    %dma_wait3A_130 = tpu.memref_slice %arg14[%dma_wait3A_129] : memref<512xf32, #tpu.memory_space<vmem>> -> memref<128xf32, #tpu.memory_space<vmem>>
    %dma_wait3A_131 = arith.constant 0 : i32
    %dma_wait3A_132 = tpu.memref_slice %arg10[%dma_wait3A_131] : memref<512xi32, #tpu.memory_space<vmem>> -> memref<128xi32, #tpu.memory_space<vmem>>
    %dma_wait3A_133 = arith.constant 0 : i32
    %dma_wait3A_134 = tpu.memref_slice %arg5[%dma_wait3A_133] : memref<1000000xf32, #tpu.memory_space<hbm>> -> memref<1000000xf32, #tpu.memory_space<hbm>>
    tpu.wait_indirect_dma semaphore(%arg16 : memref<!tpu.dma_semaphore, #tpu.memory_space<semaphore_mem>>) src(%dma_wait3A_134 : memref<1000000xf32, #tpu.memory_space<hbm>>) dst(%dma_wait3A_130 : memref<128xf32, #tpu.memory_space<vmem>>)
    %dma_wait3A_135 = arith.constant 0 : i32
    %dma_wait3A_136 = tpu.memref_slice %arg15[%dma_wait3A_135] : memref<512xf32, #tpu.memory_space<vmem>> -> memref<128xf32, #tpu.memory_space<vmem>>
    %dma_wait3A_137 = arith.constant 0 : i32
    %dma_wait3A_138 = tpu.memref_slice %arg11[%dma_wait3A_137] : memref<512xi32, #tpu.memory_space<vmem>> -> memref<128xi32, #tpu.memory_space<vmem>>
    %dma_wait3A_139 = arith.constant 0 : i32
    %dma_wait3A_140 = tpu.memref_slice %arg5[%dma_wait3A_139] : memref<1000000xf32, #tpu.memory_space<hbm>> -> memref<1000000xf32, #tpu.memory_space<hbm>>
    tpu.wait_indirect_dma semaphore(%arg16 : memref<!tpu.dma_semaphore, #tpu.memory_space<semaphore_mem>>) src(%dma_wait3A_140 : memref<1000000xf32, #tpu.memory_space<hbm>>) dst(%dma_wait3A_136 : memref<128xf32, #tpu.memory_space<vmem>>)
    %dma_wait3A_141 = arith.constant 128 : i32
    %dma_wait3A_142 = arith.constant 0 : i32
    %dma_wait3A_143 = tpu.memref_slice %arg12[%dma_wait3A_141, %dma_wait3A_142] : memref<512x32xf32, #tpu.memory_space<vmem>> -> memref<128x32xf32, #tpu.memory_space<vmem>>
    %dma_wait3A_144 = arith.constant 128 : i32
    %dma_wait3A_145 = tpu.memref_slice %arg10[%dma_wait3A_144] : memref<512xi32, #tpu.memory_space<vmem>> -> memref<128xi32, #tpu.memory_space<vmem>>
    %dma_wait3A_146 = arith.constant 0 : i32
    %dma_wait3A_147 = arith.constant 0 : i32
    %dma_wait3A_148 = tpu.memref_slice %arg4[%dma_wait3A_146, %dma_wait3A_147] : memref<1000000x32xf32, #tpu.memory_space<hbm>> -> memref<1000000x32xf32, #tpu.memory_space<hbm>>
    tpu.wait_indirect_dma semaphore(%arg16 : memref<!tpu.dma_semaphore, #tpu.memory_space<semaphore_mem>>) src(%dma_wait3A_148 : memref<1000000x32xf32, #tpu.memory_space<hbm>>) dst(%dma_wait3A_143 : memref<128x32xf32, #tpu.memory_space<vmem>>)
    %dma_wait3A_149 = arith.constant 128 : i32
    %dma_wait3A_150 = arith.constant 0 : i32
    %dma_wait3A_151 = tpu.memref_slice %arg13[%dma_wait3A_149, %dma_wait3A_150] : memref<512x32xf32, #tpu.memory_space<vmem>> -> memref<128x32xf32, #tpu.memory_space<vmem>>
    %dma_wait3A_152 = arith.constant 128 : i32
    %dma_wait3A_153 = tpu.memref_slice %arg11[%dma_wait3A_152] : memref<512xi32, #tpu.memory_space<vmem>> -> memref<128xi32, #tpu.memory_space<vmem>>
    %dma_wait3A_154 = arith.constant 0 : i32
    %dma_wait3A_155 = arith.constant 0 : i32
    %dma_wait3A_156 = tpu.memref_slice %arg4[%dma_wait3A_154, %dma_wait3A_155] : memref<1000000x32xf32, #tpu.memory_space<hbm>> -> memref<1000000x32xf32, #tpu.memory_space<hbm>>
    tpu.wait_indirect_dma semaphore(%arg16 : memref<!tpu.dma_semaphore, #tpu.memory_space<semaphore_mem>>) src(%dma_wait3A_156 : memref<1000000x32xf32, #tpu.memory_space<hbm>>) dst(%dma_wait3A_151 : memref<128x32xf32, #tpu.memory_space<vmem>>)
    %dma_wait3A_157 = arith.constant 128 : i32
    %dma_wait3A_158 = tpu.memref_slice %arg14[%dma_wait3A_157] : memref<512xf32, #tpu.memory_space<vmem>> -> memref<128xf32, #tpu.memory_space<vmem>>
    %dma_wait3A_159 = arith.constant 128 : i32
    %dma_wait3A_160 = tpu.memref_slice %arg10[%dma_wait3A_159] : memref<512xi32, #tpu.memory_space<vmem>> -> memref<128xi32, #tpu.memory_space<vmem>>
    %dma_wait3A_161 = arith.constant 0 : i32
    %dma_wait3A_162 = tpu.memref_slice %arg5[%dma_wait3A_161] : memref<1000000xf32, #tpu.memory_space<hbm>> -> memref<1000000xf32, #tpu.memory_space<hbm>>
    tpu.wait_indirect_dma semaphore(%arg16 : memref<!tpu.dma_semaphore, #tpu.memory_space<semaphore_mem>>) src(%dma_wait3A_162 : memref<1000000xf32, #tpu.memory_space<hbm>>) dst(%dma_wait3A_158 : memref<128xf32, #tpu.memory_space<vmem>>)
    %dma_wait3A_163 = arith.constant 128 : i32
    %dma_wait3A_164 = tpu.memref_slice %arg15[%dma_wait3A_163] : memref<512xf32, #tpu.memory_space<vmem>> -> memref<128xf32, #tpu.memory_space<vmem>>
    %dma_wait3A_165 = arith.constant 128 : i32
    %dma_wait3A_166 = tpu.memref_slice %arg11[%dma_wait3A_165] : memref<512xi32, #tpu.memory_space<vmem>> -> memref<128xi32, #tpu.memory_space<vmem>>
    %dma_wait3A_167 = arith.constant 0 : i32
    %dma_wait3A_168 = tpu.memref_slice %arg5[%dma_wait3A_167] : memref<1000000xf32, #tpu.memory_space<hbm>> -> memref<1000000xf32, #tpu.memory_space<hbm>>
    tpu.wait_indirect_dma semaphore(%arg16 : memref<!tpu.dma_semaphore, #tpu.memory_space<semaphore_mem>>) src(%dma_wait3A_168 : memref<1000000xf32, #tpu.memory_space<hbm>>) dst(%dma_wait3A_164 : memref<128xf32, #tpu.memory_space<vmem>>)
    %dma_wait3A_169 = arith.constant 256 : i32
    %dma_wait3A_170 = arith.constant 0 : i32
    %dma_wait3A_171 = tpu.memref_slice %arg12[%dma_wait3A_169, %dma_wait3A_170] : memref<512x32xf32, #tpu.memory_space<vmem>> -> memref<128x32xf32, #tpu.memory_space<vmem>>
    %dma_wait3A_172 = arith.constant 256 : i32
    %dma_wait3A_173 = tpu.memref_slice %arg10[%dma_wait3A_172] : memref<512xi32, #tpu.memory_space<vmem>> -> memref<128xi32, #tpu.memory_space<vmem>>
    %dma_wait3A_174 = arith.constant 0 : i32
    %dma_wait3A_175 = arith.constant 0 : i32
    %dma_wait3A_176 = tpu.memref_slice %arg4[%dma_wait3A_174, %dma_wait3A_175] : memref<1000000x32xf32, #tpu.memory_space<hbm>> -> memref<1000000x32xf32, #tpu.memory_space<hbm>>
    tpu.wait_indirect_dma semaphore(%arg16 : memref<!tpu.dma_semaphore, #tpu.memory_space<semaphore_mem>>) src(%dma_wait3A_176 : memref<1000000x32xf32, #tpu.memory_space<hbm>>) dst(%dma_wait3A_171 : memref<128x32xf32, #tpu.memory_space<vmem>>)
    %dma_wait3A_177 = arith.constant 256 : i32
    %dma_wait3A_178 = arith.constant 0 : i32
    %dma_wait3A_179 = tpu.memref_slice %arg13[%dma_wait3A_177, %dma_wait3A_178] : memref<512x32xf32, #tpu.memory_space<vmem>> -> memref<128x32xf32, #tpu.memory_space<vmem>>
    %dma_wait3A_180 = arith.constant 256 : i32
    %dma_wait3A_181 = tpu.memref_slice %arg11[%dma_wait3A_180] : memref<512xi32, #tpu.memory_space<vmem>> -> memref<128xi32, #tpu.memory_space<vmem>>
    %dma_wait3A_182 = arith.constant 0 : i32
    %dma_wait3A_183 = arith.constant 0 : i32
    %dma_wait3A_184 = tpu.memref_slice %arg4[%dma_wait3A_182, %dma_wait3A_183] : memref<1000000x32xf32, #tpu.memory_space<hbm>> -> memref<1000000x32xf32, #tpu.memory_space<hbm>>
    tpu.wait_indirect_dma semaphore(%arg16 : memref<!tpu.dma_semaphore, #tpu.memory_space<semaphore_mem>>) src(%dma_wait3A_184 : memref<1000000x32xf32, #tpu.memory_space<hbm>>) dst(%dma_wait3A_179 : memref<128x32xf32, #tpu.memory_space<vmem>>)
    %dma_wait3A_185 = arith.constant 256 : i32
    %dma_wait3A_186 = tpu.memref_slice %arg14[%dma_wait3A_185] : memref<512xf32, #tpu.memory_space<vmem>> -> memref<128xf32, #tpu.memory_space<vmem>>
    %dma_wait3A_187 = arith.constant 256 : i32
    %dma_wait3A_188 = tpu.memref_slice %arg10[%dma_wait3A_187] : memref<512xi32, #tpu.memory_space<vmem>> -> memref<128xi32, #tpu.memory_space<vmem>>
    %dma_wait3A_189 = arith.constant 0 : i32
    %dma_wait3A_190 = tpu.memref_slice %arg5[%dma_wait3A_189] : memref<1000000xf32, #tpu.memory_space<hbm>> -> memref<1000000xf32, #tpu.memory_space<hbm>>
    tpu.wait_indirect_dma semaphore(%arg16 : memref<!tpu.dma_semaphore, #tpu.memory_space<semaphore_mem>>) src(%dma_wait3A_190 : memref<1000000xf32, #tpu.memory_space<hbm>>) dst(%dma_wait3A_186 : memref<128xf32, #tpu.memory_space<vmem>>)
    %dma_wait3A_191 = arith.constant 256 : i32
    %dma_wait3A_192 = tpu.memref_slice %arg15[%dma_wait3A_191] : memref<512xf32, #tpu.memory_space<vmem>> -> memref<128xf32, #tpu.memory_space<vmem>>
    %dma_wait3A_193 = arith.constant 256 : i32
    %dma_wait3A_194 = tpu.memref_slice %arg11[%dma_wait3A_193] : memref<512xi32, #tpu.memory_space<vmem>> -> memref<128xi32, #tpu.memory_space<vmem>>
    %dma_wait3A_195 = arith.constant 0 : i32
    %dma_wait3A_196 = tpu.memref_slice %arg5[%dma_wait3A_195] : memref<1000000xf32, #tpu.memory_space<hbm>> -> memref<1000000xf32, #tpu.memory_space<hbm>>
    tpu.wait_indirect_dma semaphore(%arg16 : memref<!tpu.dma_semaphore, #tpu.memory_space<semaphore_mem>>) src(%dma_wait3A_196 : memref<1000000xf32, #tpu.memory_space<hbm>>) dst(%dma_wait3A_192 : memref<128xf32, #tpu.memory_space<vmem>>)
    %dma_wait3A_197 = arith.constant 384 : i32
    %dma_wait3A_198 = arith.constant 0 : i32
    %dma_wait3A_199 = tpu.memref_slice %arg12[%dma_wait3A_197, %dma_wait3A_198] : memref<512x32xf32, #tpu.memory_space<vmem>> -> memref<128x32xf32, #tpu.memory_space<vmem>>
    %dma_wait3A_200 = arith.constant 384 : i32
    %dma_wait3A_201 = tpu.memref_slice %arg10[%dma_wait3A_200] : memref<512xi32, #tpu.memory_space<vmem>> -> memref<128xi32, #tpu.memory_space<vmem>>
    %dma_wait3A_202 = arith.constant 0 : i32
    %dma_wait3A_203 = arith.constant 0 : i32
    %dma_wait3A_204 = tpu.memref_slice %arg4[%dma_wait3A_202, %dma_wait3A_203] : memref<1000000x32xf32, #tpu.memory_space<hbm>> -> memref<1000000x32xf32, #tpu.memory_space<hbm>>
    tpu.wait_indirect_dma semaphore(%arg16 : memref<!tpu.dma_semaphore, #tpu.memory_space<semaphore_mem>>) src(%dma_wait3A_204 : memref<1000000x32xf32, #tpu.memory_space<hbm>>) dst(%dma_wait3A_199 : memref<128x32xf32, #tpu.memory_space<vmem>>)
    %dma_wait3A_205 = arith.constant 384 : i32
    %dma_wait3A_206 = arith.constant 0 : i32
    %dma_wait3A_207 = tpu.memref_slice %arg13[%dma_wait3A_205, %dma_wait3A_206] : memref<512x32xf32, #tpu.memory_space<vmem>> -> memref<128x32xf32, #tpu.memory_space<vmem>>
    %dma_wait3A_208 = arith.constant 384 : i32
    %dma_wait3A_209 = tpu.memref_slice %arg11[%dma_wait3A_208] : memref<512xi32, #tpu.memory_space<vmem>> -> memref<128xi32, #tpu.memory_space<vmem>>
    %dma_wait3A_210 = arith.constant 0 : i32
    %dma_wait3A_211 = arith.constant 0 : i32
    %dma_wait3A_212 = tpu.memref_slice %arg4[%dma_wait3A_210, %dma_wait3A_211] : memref<1000000x32xf32, #tpu.memory_space<hbm>> -> memref<1000000x32xf32, #tpu.memory_space<hbm>>
    tpu.wait_indirect_dma semaphore(%arg16 : memref<!tpu.dma_semaphore, #tpu.memory_space<semaphore_mem>>) src(%dma_wait3A_212 : memref<1000000x32xf32, #tpu.memory_space<hbm>>) dst(%dma_wait3A_207 : memref<128x32xf32, #tpu.memory_space<vmem>>)
    %dma_wait3A_213 = arith.constant 384 : i32
    %dma_wait3A_214 = tpu.memref_slice %arg14[%dma_wait3A_213] : memref<512xf32, #tpu.memory_space<vmem>> -> memref<128xf32, #tpu.memory_space<vmem>>
    %dma_wait3A_215 = arith.constant 384 : i32
    %dma_wait3A_216 = tpu.memref_slice %arg10[%dma_wait3A_215] : memref<512xi32, #tpu.memory_space<vmem>> -> memref<128xi32, #tpu.memory_space<vmem>>
    %dma_wait3A_217 = arith.constant 0 : i32
    %dma_wait3A_218 = tpu.memref_slice %arg5[%dma_wait3A_217] : memref<1000000xf32, #tpu.memory_space<hbm>> -> memref<1000000xf32, #tpu.memory_space<hbm>>
    tpu.wait_indirect_dma semaphore(%arg16 : memref<!tpu.dma_semaphore, #tpu.memory_space<semaphore_mem>>) src(%dma_wait3A_218 : memref<1000000xf32, #tpu.memory_space<hbm>>) dst(%dma_wait3A_214 : memref<128xf32, #tpu.memory_space<vmem>>)
    %dma_wait3A_219 = arith.constant 384 : i32
    %dma_wait3A_220 = tpu.memref_slice %arg15[%dma_wait3A_219] : memref<512xf32, #tpu.memory_space<vmem>> -> memref<128xf32, #tpu.memory_space<vmem>>
    %dma_wait3A_221 = arith.constant 384 : i32
    %dma_wait3A_222 = tpu.memref_slice %arg11[%dma_wait3A_221] : memref<512xi32, #tpu.memory_space<vmem>> -> memref<128xi32, #tpu.memory_space<vmem>>
    %dma_wait3A_223 = arith.constant 0 : i32
    %dma_wait3A_224 = tpu.memref_slice %arg5[%dma_wait3A_223] : memref<1000000xf32, #tpu.memory_space<hbm>> -> memref<1000000xf32, #tpu.memory_space<hbm>>
    tpu.wait_indirect_dma semaphore(%arg16 : memref<!tpu.dma_semaphore, #tpu.memory_space<semaphore_mem>>) src(%dma_wait3A_224 : memref<1000000xf32, #tpu.memory_space<hbm>>) dst(%dma_wait3A_220 : memref<128xf32, #tpu.memory_space<vmem>>)
    "tpu.region"() ({
      %run_scoped3A = tpu.sem_alloc : memref<!tpu.dma_semaphore, #tpu.memory_space<semaphore_mem>>
      %dma_start3A_225 = arith.constant 0 : i32
      %dma_start3A_226 = tpu.memref_slice %arg6[%mul3A_2, %dma_start3A_225] : memref<16384x32xf32, #tpu.memory_space<hbm>> -> memref<512x32xf32, #tpu.memory_space<hbm>>
      %dma_start3A_227 = arith.constant 0 : i32
      %dma_start3A_228 = tpu.memref_slice %arg6[%mul3A_2, %dma_start3A_227] : memref<16384x32xf32, #tpu.memory_space<hbm>> -> memref<512x32xf32, #tpu.memory_space<hbm>>
      tpu.enqueue_dma source(%arg12 : memref<512x32xf32, #tpu.memory_space<vmem>>) target(%dma_start3A_228 : memref<512x32xf32, #tpu.memory_space<hbm>>) target_semaphore(%run_scoped3A : memref<!tpu.dma_semaphore, #tpu.memory_space<semaphore_mem>>)
      %dma_wait3A_229 = arith.constant 0 : i32
      %dma_wait3A_230 = tpu.memref_slice %arg6[%mul3A_2, %dma_wait3A_229] : memref<16384x32xf32, #tpu.memory_space<hbm>> -> memref<512x32xf32, #tpu.memory_space<hbm>>
      %dma_wait3A_231 = arith.constant 0 : i32
      %dma_wait3A_232 = tpu.memref_slice %arg6[%mul3A_2, %dma_wait3A_231] : memref<16384x32xf32, #tpu.memory_space<hbm>> -> memref<512x32xf32, #tpu.memory_space<hbm>>
      tpu.wait_dma2 semaphore(%run_scoped3A : memref<!tpu.dma_semaphore, #tpu.memory_space<semaphore_mem>>) src(%arg12 : memref<512x32xf32, #tpu.memory_space<vmem>>) dst(%dma_wait3A_232 : memref<512x32xf32, #tpu.memory_space<hbm>>)
      tpu.yield
    }) : () -> ()
    "tpu.region"() ({
      %run_scoped3A = tpu.sem_alloc : memref<!tpu.dma_semaphore, #tpu.memory_space<semaphore_mem>>
      %dma_start3A_225 = arith.constant 0 : i32
      %dma_start3A_226 = tpu.memref_slice %arg7[%mul3A_2, %dma_start3A_225] : memref<16384x32xf32, #tpu.memory_space<hbm>> -> memref<512x32xf32, #tpu.memory_space<hbm>>
      %dma_start3A_227 = arith.constant 0 : i32
      %dma_start3A_228 = tpu.memref_slice %arg7[%mul3A_2, %dma_start3A_227] : memref<16384x32xf32, #tpu.memory_space<hbm>> -> memref<512x32xf32, #tpu.memory_space<hbm>>
      tpu.enqueue_dma source(%arg13 : memref<512x32xf32, #tpu.memory_space<vmem>>) target(%dma_start3A_228 : memref<512x32xf32, #tpu.memory_space<hbm>>) target_semaphore(%run_scoped3A : memref<!tpu.dma_semaphore, #tpu.memory_space<semaphore_mem>>)
      %dma_wait3A_229 = arith.constant 0 : i32
      %dma_wait3A_230 = tpu.memref_slice %arg7[%mul3A_2, %dma_wait3A_229] : memref<16384x32xf32, #tpu.memory_space<hbm>> -> memref<512x32xf32, #tpu.memory_space<hbm>>
      %dma_wait3A_231 = arith.constant 0 : i32
      %dma_wait3A_232 = tpu.memref_slice %arg7[%mul3A_2, %dma_wait3A_231] : memref<16384x32xf32, #tpu.memory_space<hbm>> -> memref<512x32xf32, #tpu.memory_space<hbm>>
      tpu.wait_dma2 semaphore(%run_scoped3A : memref<!tpu.dma_semaphore, #tpu.memory_space<semaphore_mem>>) src(%arg13 : memref<512x32xf32, #tpu.memory_space<vmem>>) dst(%dma_wait3A_232 : memref<512x32xf32, #tpu.memory_space<hbm>>)
      tpu.yield
    }) : () -> ()
    "tpu.region"() ({
      %run_scoped3A = tpu.sem_alloc : memref<!tpu.dma_semaphore, #tpu.memory_space<semaphore_mem>>
      %dma_start3A_225 = tpu.memref_slice %arg8[%mul3A_2] : memref<16384xf32, #tpu.memory_space<hbm>> -> memref<512xf32, #tpu.memory_space<hbm>>
      %dma_start3A_226 = tpu.memref_slice %arg8[%mul3A_2] : memref<16384xf32, #tpu.memory_space<hbm>> -> memref<512xf32, #tpu.memory_space<hbm>>
      tpu.enqueue_dma source(%arg14 : memref<512xf32, #tpu.memory_space<vmem>>) target(%dma_start3A_226 : memref<512xf32, #tpu.memory_space<hbm>>) target_semaphore(%run_scoped3A : memref<!tpu.dma_semaphore, #tpu.memory_space<semaphore_mem>>)
      %dma_wait3A_227 = tpu.memref_slice %arg8[%mul3A_2] : memref<16384xf32, #tpu.memory_space<hbm>> -> memref<512xf32, #tpu.memory_space<hbm>>
      %dma_wait3A_228 = tpu.memref_slice %arg8[%mul3A_2] : memref<16384xf32, #tpu.memory_space<hbm>> -> memref<512xf32, #tpu.memory_space<hbm>>
      tpu.wait_dma2 semaphore(%run_scoped3A : memref<!tpu.dma_semaphore, #tpu.memory_space<semaphore_mem>>) src(%arg14 : memref<512xf32, #tpu.memory_space<vmem>>) dst(%dma_wait3A_228 : memref<512xf32, #tpu.memory_space<hbm>>)
      tpu.yield
    }) : () -> ()
    "tpu.region"() ({
      %run_scoped3A = tpu.sem_alloc : memref<!tpu.dma_semaphore, #tpu.memory_space<semaphore_mem>>
      %dma_start3A_225 = tpu.memref_slice %arg9[%mul3A_2] : memref<16384xf32, #tpu.memory_space<hbm>> -> memref<512xf32, #tpu.memory_space<hbm>>
      %dma_start3A_226 = tpu.memref_slice %arg9[%mul3A_2] : memref<16384xf32, #tpu.memory_space<hbm>> -> memref<512xf32, #tpu.memory_space<hbm>>
      tpu.enqueue_dma source(%arg15 : memref<512xf32, #tpu.memory_space<vmem>>) target(%dma_start3A_226 : memref<512xf32, #tpu.memory_space<hbm>>) target_semaphore(%run_scoped3A : memref<!tpu.dma_semaphore, #tpu.memory_space<semaphore_mem>>)
      %dma_wait3A_227 = tpu.memref_slice %arg9[%mul3A_2] : memref<16384xf32, #tpu.memory_space<hbm>> -> memref<512xf32, #tpu.memory_space<hbm>>
      %dma_wait3A_228 = tpu.memref_slice %arg9[%mul3A_2] : memref<16384xf32, #tpu.memory_space<hbm>> -> memref<512xf32, #tpu.memory_space<hbm>>
      tpu.wait_dma2 semaphore(%run_scoped3A : memref<!tpu.dma_semaphore, #tpu.memory_space<semaphore_mem>>) src(%arg15 : memref<512xf32, #tpu.memory_space<vmem>>) dst(%dma_wait3A_228 : memref<512xf32, #tpu.memory_space<hbm>>)
      tpu.yield
    }) : () -> ()
    return
  }
}

</mosaic_0001>

<sc_bundles>
// kernel: kernel.3.cloned.1.call-start
scs
__scs_entry_jumppad:
0x0: {  	(pc) =	sbr.rel $0x88, $3  }
0x1: {  	(tag) =	ssettag $0x0;
	lr =	simm.s32 $0x1  }
0x2: {  	[smem:$0x3F9D] =	sst lr;
	_ =	strace $0xD0000000  }
0x3: {  	_ = 	snop  }
0x4: {  	_ = 	snop  }
0x5: {  	_ = 	snop  }
0x6: {  	_ = 	snop  }
0x7: {  	_ = 	snop  }
__scs_overlays_trampoline_lowered:
0x8: {  	[smem:$0x3FAC] =	sst s0  }
0x9: {  	[smem:$0x3FAD] =	sst s1  }
0xa: {  	[smem:$0x3FAE] =	sst s2  }
0xb: {  	[smem:$0x3FAF] =	sst s3  }
0xc: {  	[smem:$0x3FB0] =	sst s4  }
0xd: {  	[smem:$0x3FB1] =	sst s5  }
0xe: {  	[smem:$0x3FB2] =	sst s6  }
0xf: {  	[smem:$0x3FB3] =	sst s7  }
0x10: {  	[smem:$0x3FB4] =	sst s8  }
0x11: {  	[smem:$0x3FB5] =	sst s9;
	s0 =	simm.s32 @!p0 $0x0  }
0x12: {  	s1 =	sld [smem:$0x3F9B];
	s0 =	simm.s32 @p0 $0x1  }
0x13: {  	[smem:$0x3FB6] =	sst s0;
	s0 =	simm.s32 @!p1 $0x0  }
0x14: {  	s2 =	sld [smem:$0x3F9A];
	s0 =	simm.s32 @p1 $0x1  }
0x15: {  	[smem:$0x3FB7] =	sst s0;
	s0 =	simm.s32 @!p2 $0x0  }
0x16: {  	s3 =	sld [smem:$0x3FDB];
	s0 =	simm.s32 @p2 $0x1  }
0x17: {  	s4 =	simm.s32 $0x1BF5;
	[smem:$0x3FB9] =	sst s0  }
0x18: {  	s0 =	sld [smem:$0x3F9C];
	_ =	swait.ge [sflag:s4], $0x0  }
0x19: {  	s7 =	sld [smem:$0x3F9D]  }
0x1a: {  	s8 =	sadd.s32 $0xFFFFE003, lr  }
0x1b: {  	s9 =	sadd.s32 $0xFFFFFEF7, lr;
	s5 =	simm.s32 $0xFFFFFFFF;
	p2 =	slt.u32 s8, $0xFFFFF086  }
0x1c: {  	p1 =	slt.u32 s9, $0xF7A;
	s5 =	simm.s32 @!p2 $0x0  }
0x1d: {  	s5 =	simm.s32 @p1 $0x1;
	p0 =	seq.s32 s7, s2  }
0x1e: {  	s7 =	smul.u32 @!p0 $0xF7A, s2;
	p2 =	seq.s32 @!p0 s5, $0x0  }
0x1f: {  	s9 =	smul.u32 $0xF7A, s1;
	s8 =	simm.s32 @!p0 $0x1BF5;
	p2 =	por !p2, p0  }
0x20: {  	[sflag:s8] =	ssyncset.s32 @!p0 $0xFFFFF086;
	s6 =	sadd.s32 @!p0 s3, s7;
	s7 =	simm.s32 @!p0 $0x108  }
0x21: {  	s3 =	sadd.s32 s3, s9;
	s6 =	sadd.s32 @!p0 $0x88, s6;
	s7 =	simm.s32 @p2 $0x1082  }
0x22: {  	[simem:s7], [sflag:s8] =	dma.local @!p0 [hbm:s6], $0xF7A  }
0x23: {  	s9 =	sor.u32 $0xD0000000, s2;
	s6 =	simm.s32 $0x108;
	_ =	swait.ge @!p0 [sflag:s8], $0x0  }
0x24: {  	s3 =	sadd.s32 $0x88, s3;
	s6 =	simm.s32 @!p1 $0x1082;
	[sflag:s4] =	ssyncset.s32 $0xFFFFF086  }
0x25: {  	[simem:s6], [sflag:s4] =	dma.local [hbm:s3], $0xF7A  }
0x26: {  	[smem:$0x3F9D] =	sst s1;
	(tag) =	ssettag s2;
	_ =	strace s9  }
0x27: {  	s1 =	sld [smem:$0x3FAD]  }
0x28: {  	s2 =	sld [smem:$0x3FAE]  }
0x29: {  	s4 =	sld [smem:$0x3FB0]  }
0x2a: {  	p0 =	seq.s32 s5, $0x0;
	s5 =	sld [smem:$0x3FB1]  }
0x2b: {  	s6 =	sld [smem:$0x3FB2]  }
0x2c: {  	s7 =	sld [smem:$0x3FB3]  }
0x2d: {  	s3 =	simm.s32 $0x108;
	s8 =	sld [smem:$0x3FB4]  }
0x2e: {  	s3 =	simm.s32 @!p0 $0x1082;
	s9 =	sld [smem:$0x3FB5]  }
0x2f: {  	lr =	sadd.s32 s0, s3;
	s0 =	sld [smem:$0x3FAC]  }
0x30: {  	s3 =	sld [smem:$0x3FAF]  }
0x31: {  	[smem:$0x3FB8] =	sst s10  }
0x32: {  	s10 =	sld [smem:$0x3FB6];
	_ =	sdelay $0x3  }
0x33: {  	p0 =	seq.s32 s10, $0x1;
	s10 =	sld [smem:$0x3FB8];
	_ =	sdelay $0x3  }
0x34: {  	[smem:$0x3FB8] =	sst s10  }
0x35: {  	s10 =	sld [smem:$0x3FB7];
	_ =	sdelay $0x3  }
0x36: {  	p1 =	seq.s32 s10, $0x1;
	s10 =	sld [smem:$0x3FB8];
	_ =	sdelay $0x3  }
0x37: {  	[smem:$0x3FB8] =	sst s10  }
0x38: {  	s10 =	sld [smem:$0x3FB9]  }
0x39: {  	_ = 	snop;
	(pc) =	sbr.ind lr, $3  }
0x3a: {  	_ = 	snop  }
0x3b: {  	_ = 	snop  }
0x3c: {  	p2 =	seq.s32 s10, $0x1;
	s10 =	sld [smem:$0x3FB8]  }
0x3d: {  	_ =	shalt  }
0x3e: {  	_ =	shalt  }
0x3f: {  	_ =	shalt  }
0x40: {  	_ =	shalt  }
0x41: {  	_ =	shalt  }
0x42: {  	_ =	shalt  }
0x43: {  	_ =	shalt  }
0x44: {  	_ =	shalt  }
0x45: {  	_ =	shalt  }
0x46: {  	_ =	shalt  }
0x47: {  	_ =	shalt  }
0x48: {  	_ =	shalt  }
0x49: {  	_ =	shalt  }
0x4a: {  	_ =	shalt  }
0x4b: {  	_ =	shalt  }
0x4c: {  	_ =	shalt  }
0x4d: {  	_ =	shalt  }
0x4e: {  	_ =	shalt  }
0x4f: {  	_ =	shalt  }
0x50: {  	_ =	shalt  }
0x51: {  	_ =	shalt  }
0x52: {  	_ =	shalt  }
0x53: {  	_ =	shalt  }
0x54: {  	_ =	shalt  }
0x55: {  	_ =	shalt  }
0x56: {  	_ =	shalt  }
0x57: {  	_ =	shalt  }
0x58: {  	_ =	shalt  }
0x59: {  	_ =	shalt  }
0x5a: {  	_ =	shalt  }
0x5b: {  	_ =	shalt  }
0x5c: {  	_ =	shalt  }
0x5d: {  	_ =	shalt  }
0x5e: {  	_ =	shalt  }
0x5f: {  	_ =	shalt  }
0x60: {  	_ =	shalt  }
0x61: {  	_ =	shalt  }
0x62: {  	_ =	shalt  }
0x63: {  	_ =	shalt  }
0x64: {  	_ =	shalt  }
0x65: {  	_ =	shalt  }
0x66: {  	_ =	shalt  }
0x67: {  	_ =	shalt  }
0x68: {  	_ =	shalt  }
0x69: {  	_ =	shalt  }
0x6a: {  	_ =	shalt  }
0x6b: {  	_ =	shalt  }
0x6c: {  	_ =	shalt  }
0x6d: {  	_ =	shalt  }
0x6e: {  	_ =	shalt  }
0x6f: {  	_ =	shalt  }
0x70: {  	_ =	shalt  }
0x71: {  	_ =	shalt  }
0x72: {  	_ =	shalt  }
0x73: {  	_ =	shalt  }
0x74: {  	_ =	shalt  }
0x75: {  	_ =	shalt  }
0x76: {  	_ =	shalt  }
0x77: {  	_ =	shalt  }
0x78: {  	_ =	shalt  }
0x79: {  	_ =	shalt  }
0x7a: {  	_ =	shalt  }
0x7b: {  	_ =	shalt  }
0x7c: {  	_ =	shalt  }
0x7d: {  	_ =	shalt  }
0x7e: {  	_ =	shalt  }
0x7f: {  	_ =	shalt  }
0x80: {  	_ =	shalt  }
0x81: {  	_ =	shalt  }
0x82: {  	_ =	shalt  }
0x83: {  	_ =	shalt  }
0x84: {  	_ =	shalt  }
0x85: {  	_ =	shalt  }
0x86: {  	_ =	shalt  }
0x87: {  	_ =	shalt  }
.Lfunc_end0:
.L_simem_size_0:
called_computation_lowered:
.L_overlay_start_0:
0x88: {  	s2 =	sld [smem:$0x3FD9]  }
0x89: {  	s3 =	sld [smem:$0x3FFE];
	_ =	sdelay $0x1  }
0x8a: {  	s1 =	srdreg.scid  }
0x8b: {  	s0 =	sand.u32 $0x1, s1  }
0x8c: {  	s14 =	sshll.u32 s0, $0xA;
	s2 =	sadd.s32 s3, s2  }
0x8d: {  	s2 =	sadd.s32 s2, s14  }
0x8e: {  	[smem:$0x3FC4] =	sst s2  }
0x8f: {  	_ = 	snop  }
0x90: {  	s2 =	sld [smem:$0x3FD0]  }
0x91: {  	s15 =	sld [smem:$0x3FC9]  }
0x92: {  	s4 =	sld [smem:$0x3FC8]  }
0x93: {  	s6 =	simm.s32 $0xA;
	s7 =	simm.s32 $0x10;
	s5 =	sld [smem:$0x3FC6]  }
0x94: {  	[smem:s7], [sflag:s6] =	dma.local [hbm:s2], $0x1  }
0x95: {  	_ =	swait.eq [sflag:s6], $0x1  }
0x96: {  	s16 =	sld [smem:$0x10]  }
0x97: {  	s17 =	sld [smem:$0x11];
	[sflag:s6] =	ssyncset.done $0x0  }
0x98: {  	s8 =	sld [smem:$0x12];
	[sflag:s6] =	ssyncadd.s32 $0xFFFFFFFF  }
0x99: {  	s18 =	sld [smem:$0x13];
	(tm) =	ssettm $0x1  }
0x9a: {  	s9 =	sld [smem:$0x3FFB];
	_ =	sdelay $0x3  }
0x9b: {  	_ =	strace s9  }
0x9c: {  	s9 =	sld [smem:$0x3FFC];
	_ =	sdelay $0x3  }
0x9d: {  	_ =	strace s9  }
0x9e: {  	s9 =	sld [smem:$0x3FFD];
	_ =	sdelay $0x3  }
0x9f: {  	_ =	strace s9  }
0xa0: {  	_ =	strace $0x8FFFFFFF  }
0xa1: {  	s19 =	sld [smem:$0x3FDB];
	_ =	sdelay $0x1  }
0xa2: {  	s10 =	simm.s32 $_scs_section_size  }
0xa3: {  	s11 =	simm.s32 $_size__tile_overlayer_lowered;
	s12 =	simm.s32 $_tile_overlayer_lowered  }
0xa4: {  	s22 =	simm.s32 $0x1BFF;
	s21 =	sshll.u32 s12, $0x1;
	s9 =	sadd.s32 s10, s19  }
0xa5: {  	s13 =	simm.s32 $0x0;
	s20 =	sshll.u32 s11, $0x1;
	s11 =	sadd.s32 s21, s9  }
0xa6: {  	[timem:s13], [sflag:s22] =	dma.local [hbm:s11], s20  }
0xa7: {  	_ =	swait.ge [sflag:s22], s20  }
0xa8: {  	s10 =	ssub.s32 $0x0, s20;
	[sflag:s22] =	ssyncset.done $0x0  }
0xa9: {  	[sflag:s22] =	ssyncadd.s32 s10;
	_ =	sdelay $0x1  }
0xaa: {  	s23 =	simm.s32 $0x1B8B  }
0xab: {  	_ =	swait.ge [sflag:s23], $0x1  }
0xac: {  	[sflag:s23] =	ssyncset.done $0x0  }
0xad: {  	s25 =	simm.s32 $0x1B8E;
	s24 =	sld [smem:$0x3FFE];
	[sflag:s23] =	ssyncadd.s32 $0xFFFFFFFF  }
0xae: {  	s26 =	simm.s32 $execute0_lowered;
	[smem:$0x3FD2] =	sst s25  }
0xaf: {  	s11 =	sshll.u32 s26, $0x1;
	_ =	strace $0x80000046;
	[dreg:$0x1] =	wrdreg $0xFFFFFFFF  }
0xb0: {  	s28 =	simm.s32 $_size_execute0_lowered;
	s9 =	sadd.s32 s9, s11;
	[dreg:$0x0] =	wrdreg $0x0  }
0xb1: {  	s11 =	sshll.u32 s28, $0x1;
	[dreg:$0x2] =	wrdreg s9  }
0xb2: {  	[dreg:$0x3] =	wrdreg s11  }
0xb3: {  	[dreg:$0x4] =	wrdreg $0xC0  }
0xb4: {  	_ =	task [dreg:s13], $0x5FFFF  }
0xb5: {  	[dreg:$0x1] =	wrdreg $0xFFFFFFFF  }
0xb6: {  	[dreg:$0x0] =	wrdreg $0x60  }
0xb7: {  	[dreg:$0x2] =	wrdreg s15  }
0xb8: {  	[dreg:$0x3] =	wrdreg s4  }
0xb9: {  	[dreg:$0x4] =	wrdreg s24  }
0xba: {  	[dreg:$0x5] =	wrdreg s5  }
0xbb: {  	[dreg:$0x6] =	wrdreg s16  }
0xbc: {  	[dreg:$0x7] =	wrdreg s17  }
0xbd: {  	[dreg:$0x8] =	wrdreg s8  }
0xbe: {  	[dreg:$0x9] =	wrdreg s18  }
0xbf: {  	[dreg:$0xa] =	wrdreg $0x9  }
0xc0: {  	_ =	task.clear_ibuf [dreg:s13], $0xBFFFF;
	_ =	strace $0x90000046  }
0xc1: {  	s29 =	simm.s32 $0x9;
	_ =	strace $0x80000048  }
0xc2: {  	_ =	swait.ge [sflag:s29], $0x1  }
0xc3: {  	[sflag:s29] =	ssyncadd.s32 $0xFFFFFFFF  }
0xc4: {  	_ =	strace $0x90000048  }
0xc5: {  	_ =	sfence  }
0xc6: {  	s30 =	sld [smem:$0x0];
	_ =	sdelay $0x2  }
0xc7: {  	s31 =	sshll.u32 s1, $0xD;
	s1 =	sshrl.u32 s1, $0x2  }
0xc8: {  	s3 =	sand.u32 $0x4000, s31;
	s1 =	sadd.s32 s1, s30  }
0xc9: {  	s0 =	sor.u32 s3, s0;
	s1 =	sshll.u32 s1, $0x11  }
0xca: {  	s0 =	sor.u32 s1, s0  }
0xcb: {  	s0 =	sadd.s32 $0x8F2B, s0  }
0xcc: {  	[sflag:s0] =	ssyncadd.remote.s32 $0x1  }
0xcd: {  	_ =	sfence.sel $0xFFFF  }
0xce: {  	[dreg:$0x0] =	wrdreg $0xFFFFFFFF;
	(pc) =	sbr.abs _section_cstart, $3  }
0xcf: {  	[dreg:$0x1] =	wrdreg $0xFFFFFFFF  }
0xd0: {  	_ =	task.clear_ibuf [dreg:s13], $0x2FFFF;
	_ =	strace $0x9FFFFFFF  }
0xd1: {  	(tm) =	ssettm $0x7FFFFFFF  }
tec
execute0_lowered:
.L_overlay_start_1:
0x0: {  	(tag) =	ssettag $0x1  }
0x1: {  	s0 =	rddreg [dreg:$0x0]  }
0x2: {  	s1 =	rddreg [dreg:$0x1]  }
0x3: {  	s3 =	rddreg [dreg:$0x2]  }
0x4: {  	s9 =	rddreg [dreg:$0x3]  }
0x5: {  	s4 =	rddreg [dreg:$0x4]  }
0x6: {  	s5 =	rddreg [dreg:$0x5]  }
0x7: {  	s2 =	srdreg.scid;
	s6 =	rddreg [dreg:$0x6]  }
0x8: {  	s10 =	stileid.u32;
	s8 =	rddreg [dreg:$0x7];
	s13 =	simm.s32 $0x200  }
0x9: {  	s16 =	simm.s32 $0x1400;
	s14 =	simm.s32 $0x280;
	s18 =	simm.s32 $0x5400  }
0xa: {  	s15 =	simm.s32 $0x100;
	s17 =	simm.s32 $0x300;
	p0 =	por $0x0, $0x0  }
0xb: {  	s28 =	simm.s32 $0x3400;
	s29 =	simm.s32 $0x7400;
	s30 =	simm.s32 $0x8580  }
0xc: {  	s31 =	simm.s32 $0x8780;
	s7 =	sand.u32 $0x1, s2;
	s2 =	simm.s32 $0x0  }
0xd: {  	s10 =	sshll.u32 s10, $0xA;
	s11 =	sshll.u32 s7, $0x9;
	[smem:$0x7FF] =	sst s2  }
0xe: {  	s22 =	ssub.s32 $0x2, s7;
	s7 =	simm.s32 $0x4400;
	s10 =	sor.u32 s11, s10  }
0xf: {  	_ =	strace $0x80000047;
	s11 =	sadd.s32 $0xF42E00, s3;
	s24 =	sshrl.u32 s22, $0x1  }
0x10: {  	s3 =	simm.s32 $0x2;
	s12 =	sshrl.u32 s10, $0x3;
	s20 =	sshll.u32 s10, $0x2  }
0x11: {  	s10 =	simm.s32 $0x1;
	s0 =	sadd.s32 s0, s12;
	s19 =	sadd.s32 s1, s12  }
0x12: {  	s21 =	sadd.s32 s4, s20;
	s23 =	sadd.s32 s5, s20;
	s25 =	sadd.s32 s6, s12  }
0x13: {  	s1 =	ssub.s32 s22, s24;
	s4 =	sadd.s32 s8, s12;
	s12 =	simm.s32 $0x80  }
0x14: {  	s8 =	simm.s32 $0x400;
	[dreg:$0x9] =	wrdreg s0;
	s26 =	smax.u32 s1, $0x1  }
0x15: {  	s6 =	simm.s32 $0x8400;
	[dreg:$0xa] =	wrdreg s19;
	p1 =	sne.s32 s26, $0x1  }
.Ltmp0:
0x16: {  	s5 =	simm.s32 $0x8600;
	[dreg:$0xb] =	wrdreg s21;
	(pc) =	sbr.rel @!p1 .LBB2_3-.Ltmp0, $4  }
0x17: {  	s20 =	simm.s32 $0x8680;
	s22 =	simm.s32 $0x2400;
	[dreg:$0xc] =	wrdreg s23  }
0x18: {  	s24 =	simm.s32 $0x8500;
	[dreg:$0xd] =	wrdreg s25;
	s19 =	simm.s32 $0x8480  }
0x19: {  	s23 =	simm.s32 $0x6400;
	s25 =	simm.s32 $0x8700;
	s21 =	simm.s32 $0x180  }
0x1a: {  	s1 =	sadd.s32 $0xFFFFFFFF, s26;
	s26 =	simm.s32 $0x380;
	s0 =	rddreg [dreg:$0x9]  }
0x1b: {  	[tilespmem:s2], [sflag:$0x2] =	stream.linear.gather [hbm4b:s0+s2], $0x200, $0x38;
	[tilespmem:$0x8800] =	vst v63  }
0x1c: {  	_ =	swait.ge [sflag:s3], $0x200  }
0x1d: {  	[sflag:s3] =	ssyncset.done $0x0  }
0x1e: {  	s0 =	rddreg [dreg:$0xa];
	[sflag:s3] =	ssyncadd.s32 $0xFFFFFE00  }
0x1f: {  	[tilespmem:s13], [sflag:$0x2] =	stream.linear.gather [hbm4b:s0+s2], $0x200, $0x38;
	[tilespmem:$0x8800] =	vst v63  }
0x20: {  	_ =	swait.ge [sflag:s3], $0x200  }
0x21: {  	[sflag:s3] =	ssyncset.done $0x0  }
0x22: {  	[sflag:s3] =	ssyncadd.s32 $0xFFFFFE00  }
0x23: {  	[tilespmem:s8], [sflag:$0x1] =	stream.indirect.gather [hbm4b:s11+s12], $0x20, s2, s12, $0xb8;
	[tilespmem:$0x8800] =	vst v63  }
0x24: {  	_ = 	snop  }
0x25: {  	[tilespmem:s7], [sflag:$0x1] =	stream.indirect.gather [hbm4b:s11+s12], $0x20, s13, s12, $0xb8;
	[tilespmem:$0x8800] =	vst v63  }
0x26: {  	_ = 	snop  }
0x27: {  	[tilespmem:s6], [sflag:$0x1] =	stream.indirect.gather [hbm4b:s9+s12], $0x1, s2, s12, $0xb8;
	[tilespmem:$0x8800] =	vst v63  }
0x28: {  	_ = 	snop  }
0x29: {  	[tilespmem:s5], [sflag:$0x1] =	stream.indirect.gather [hbm4b:s9+s12], $0x1, s13, s12, $0xb8;
	[tilespmem:$0x8800] =	vst v63  }
0x2a: {  	_ = 	snop  }
0x2b: {  	[tilespmem:s16], [sflag:$0x1] =	stream.indirect.gather [hbm4b:s11+s12], $0x20, s12, s12, $0xb8;
	[tilespmem:$0x8800] =	vst v63  }
0x2c: {  	_ = 	snop  }
0x2d: {  	[tilespmem:s18], [sflag:$0x1] =	stream.indirect.gather [hbm4b:s11+s12], $0x20, s14, s12, $0xb8;
	[tilespmem:$0x8800] =	vst v63  }
0x2e: {  	_ = 	snop  }
0x2f: {  	[tilespmem:s19], [sflag:$0x1] =	stream.indirect.gather [hbm4b:s9+s12], $0x1, s12, s12, $0xb8;
	[tilespmem:$0x8800] =	vst v63  }
0x30: {  	_ = 	snop  }
0x31: {  	[tilespmem:s20], [sflag:$0x1] =	stream.indirect.gather [hbm4b:s9+s12], $0x1, s14, s12, $0xb8;
	[tilespmem:$0x8800] =	vst v63  }
0x32: {  	_ = 	snop  }
0x33: {  	[tilespmem:s22], [sflag:$0x1] =	stream.indirect.gather [hbm4b:s11+s12], $0x20, s15, s12, $0xb8;
	[tilespmem:$0x8800] =	vst v63  }
0x34: {  	_ = 	snop  }
0x35: {  	[tilespmem:s23], [sflag:$0x1] =	stream.indirect.gather [hbm4b:s11+s12], $0x20, s17, s12, $0xb8;
	[tilespmem:$0x8800] =	vst v63  }
0x36: {  	_ = 	snop  }
0x37: {  	[tilespmem:s24], [sflag:$0x1] =	stream.indirect.gather [hbm4b:s9+s12], $0x1, s15, s12, $0xb8;
	[tilespmem:$0x8800] =	vst v63  }
0x38: {  	_ = 	snop  }
0x39: {  	[tilespmem:s25], [sflag:$0x1] =	stream.indirect.gather [hbm4b:s9+s12], $0x1, s17, s12, $0xb8;
	[tilespmem:$0x8800] =	vst v63  }
0x3a: {  	_ = 	snop  }
0x3b: {  	[tilespmem:s28], [sflag:$0x1] =	stream.indirect.gather [hbm4b:s11+s12], $0x20, s21, s12, $0xb8;
	[tilespmem:$0x8800] =	vst v63  }
0x3c: {  	_ = 	snop  }
0x3d: {  	[tilespmem:s29], [sflag:$0x1] =	stream.indirect.gather [hbm4b:s11+s12], $0x20, s26, s12, $0xb8;
	[tilespmem:$0x8800] =	vst v63  }
0x3e: {  	_ = 	snop  }
0x3f: {  	[tilespmem:s30], [sflag:$0x1] =	stream.indirect.gather [hbm4b:s9+s12], $0x1, s21, s12, $0xb8;
	[tilespmem:$0x8800] =	vst v63  }
0x40: {  	_ = 	snop  }
0x41: {  	[tilespmem:s31], [sflag:$0x1] =	stream.indirect.gather [hbm4b:s9+s12], $0x1, s26, s12, $0xb8;
	[tilespmem:$0x8800] =	vst v63  }
0x42: {  	_ =	swait.ge [sflag:s10], $0x1000  }
0x43: {  	[sflag:s10] =	ssyncset.done $0x0  }
0x44: {  	[sflag:s10] =	ssyncadd.s32 $0xFFFFF000  }
0x45: {  	_ =	swait.ge [sflag:s10], $0x1000  }
0x46: {  	[sflag:s10] =	ssyncset.done $0x0  }
0x47: {  	[sflag:s10] =	ssyncadd.s32 $0xFFFFF000  }
0x48: {  	_ =	swait.ge [sflag:s10], $0x80  }
0x49: {  	[sflag:s10] =	ssyncset.done $0x0  }
0x4a: {  	[sflag:s10] =	ssyncadd.s32 $0xFFFFFF80  }
0x4b: {  	_ =	swait.ge [sflag:s10], $0x80  }
0x4c: {  	[sflag:s10] =	ssyncset.done $0x0  }
0x4d: {  	[sflag:s10] =	ssyncadd.s32 $0xFFFFFF80  }
0x4e: {  	_ =	swait.ge [sflag:s10], $0x1000  }
0x4f: {  	[sflag:s10] =	ssyncset.done $0x0  }
0x50: {  	[sflag:s10] =	ssyncadd.s32 $0xFFFFF000  }
0x51: {  	_ =	swait.ge [sflag:s10], $0x1000  }
0x52: {  	[sflag:s10] =	ssyncset.done $0x0  }
0x53: {  	[sflag:s10] =	ssyncadd.s32 $0xFFFFF000  }
0x54: {  	_ =	swait.ge [sflag:s10], $0x80  }
0x55: {  	[sflag:s10] =	ssyncset.done $0x0  }
0x56: {  	[sflag:s10] =	ssyncadd.s32 $0xFFFFFF80  }
0x57: {  	_ =	swait.ge [sflag:s10], $0x80  }
0x58: {  	[sflag:s10] =	ssyncset.done $0x0  }
0x59: {  	[sflag:s10] =	ssyncadd.s32 $0xFFFFFF80  }
0x5a: {  	_ =	swait.ge [sflag:s10], $0x1000  }
0x5b: {  	[sflag:s10] =	ssyncset.done $0x0  }
0x5c: {  	[sflag:s10] =	ssyncadd.s32 $0xFFFFF000  }
0x5d: {  	_ =	swait.ge [sflag:s10], $0x1000  }
0x5e: {  	[sflag:s10] =	ssyncset.done $0x0  }
0x5f: {  	[sflag:s10] =	ssyncadd.s32 $0xFFFFF000  }
0x60: {  	_ =	swait.ge [sflag:s10], $0x80  }
0x61: {  	[sflag:s10] =	ssyncset.done $0x0  }
0x62: {  	[sflag:s10] =	ssyncadd.s32 $0xFFFFFF80  }
0x63: {  	_ =	swait.ge [sflag:s10], $0x80  }
0x64: {  	[sflag:s10] =	ssyncset.done $0x0  }
0x65: {  	[sflag:s10] =	ssyncadd.s32 $0xFFFFFF80  }
0x66: {  	_ =	swait.ge [sflag:s10], $0x1000  }
0x67: {  	[sflag:s10] =	ssyncset.done $0x0  }
0x68: {  	[sflag:s10] =	ssyncadd.s32 $0xFFFFF000  }
0x69: {  	_ =	swait.ge [sflag:s10], $0x1000  }
0x6a: {  	[sflag:s10] =	ssyncset.done $0x0  }
0x6b: {  	[sflag:s10] =	ssyncadd.s32 $0xFFFFF000  }
0x6c: {  	_ =	swait.ge [sflag:s10], $0x80  }
0x6d: {  	[sflag:s10] =	ssyncset.done $0x0  }
0x6e: {  	[sflag:s10] =	ssyncadd.s32 $0xFFFFFF80  }
0x6f: {  	_ =	swait.ge [sflag:s10], $0x80  }
0x70: {  	[sflag:s10] =	ssyncset.done $0x0  }
0x71: {  	s0 =	rddreg [dreg:$0xb];
	[sflag:s10] =	ssyncadd.s32 $0xFFFFFF80  }
0x72: {  	[hbm4b:s0+s2] =	stream.linear.scatter [tilespmem:s8], [sflag:$0x2], $0x4000, $0x38;
	[tilespmem:$0x8800] =	vst v63  }
0x73: {  	_ =	swait.ge [sflag:s3], $0x4000  }
0x74: {  	[sflag:s3] =	ssyncset.done $0x0  }
0x75: {  	s0 =	rddreg [dreg:$0xc];
	[sflag:s3] =	ssyncadd.s32 $0xFFFFC000  }
0x76: {  	[hbm4b:s0+s2] =	stream.linear.scatter [tilespmem:s7], [sflag:$0x2], $0x4000, $0x38;
	[tilespmem:$0x8800] =	vst v63  }
0x77: {  	_ =	swait.ge [sflag:s3], $0x4000  }
0x78: {  	[sflag:s3] =	ssyncset.done $0x0  }
0x79: {  	s0 =	rddreg [dreg:$0xd];
	[sflag:s3] =	ssyncadd.s32 $0xFFFFC000  }
0x7a: {  	[hbm4b:s0+s2] =	stream.linear.scatter [tilespmem:s6], [sflag:$0x2], $0x200, $0x38;
	[tilespmem:$0x8800] =	vst v63  }
0x7b: {  	p1 =	sne.s32 s1, $0x1;
	_ =	swait.ge [sflag:s3], $0x200  }
.Ltmp1:
0x7c: {  	[sflag:s3] =	ssyncset.done $0x0;
	(pc) =	sbr.rel @!p1 .LBB2_3-.Ltmp1, $4  }
0x7d: {  	[sflag:s3] =	ssyncadd.s32 $0xFFFFFE00  }
0x7e: {  	[hbm4b:s4+s2] =	stream.linear.scatter [tilespmem:s5], [sflag:$0x2], $0x200, $0x38;
	[tilespmem:$0x8800] =	vst v63  }
0x7f: {  	s1 =	sadd.s32 $0xFFFFFFFF, s1;
	_ =	swait.ge [sflag:s3], $0x200  }
0x80: {  	p0 =	por $0x1, $0x1;
	s0 =	rddreg [dreg:$0x9];
	[sflag:s3] =	ssyncset.done $0x0  }
.LBB2_2:
0x81: {  	[sflag:s3] =	ssyncadd.s32 $0xFFFFFE00  }
0x82: {  	[tilespmem:s2], [sflag:$0x2] =	stream.linear.gather [hbm4b:s0+s2], $0x200, $0x38;
	[tilespmem:$0x8800] =	vst v63  }
0x83: {  	_ =	swait.ge [sflag:s3], $0x200  }
0x84: {  	[sflag:s3] =	ssyncset.done $0x0  }
0x85: {  	s0 =	rddreg [dreg:$0xa];
	[sflag:s3] =	ssyncadd.s32 $0xFFFFFE00  }
0x86: {  	[tilespmem:s13], [sflag:$0x2] =	stream.linear.gather [hbm4b:s0+s2], $0x200, $0x38;
	[tilespmem:$0x8800] =	vst v63  }
0x87: {  	_ =	swait.ge [sflag:s3], $0x200  }
0x88: {  	[sflag:s3] =	ssyncset.done $0x0  }
0x89: {  	[sflag:s3] =	ssyncadd.s32 $0xFFFFFE00  }
0x8a: {  	[tilespmem:s8], [sflag:$0x1] =	stream.indirect.gather [hbm4b:s11+s12], $0x20, s2, s12, $0xb8;
	[tilespmem:$0x8800] =	vst v63  }
0x8b: {  	_ = 	snop  }
0x8c: {  	[tilespmem:s7], [sflag:$0x1] =	stream.indirect.gather [hbm4b:s11+s12], $0x20, s13, s12, $0xb8;
	[tilespmem:$0x8800] =	vst v63  }
0x8d: {  	_ = 	snop  }
0x8e: {  	[tilespmem:s6], [sflag:$0x1] =	stream.indirect.gather [hbm4b:s9+s12], $0x1, s2, s12, $0xb8;
	[tilespmem:$0x8800] =	vst v63  }
0x8f: {  	_ = 	snop  }
0x90: {  	[tilespmem:s5], [sflag:$0x1] =	stream.indirect.gather [hbm4b:s9+s12], $0x1, s13, s12, $0xb8;
	[tilespmem:$0x8800] =	vst v63  }
0x91: {  	_ = 	snop  }
0x92: {  	[tilespmem:s16], [sflag:$0x1] =	stream.indirect.gather [hbm4b:s11+s12], $0x20, s12, s12, $0xb8;
	[tilespmem:$0x8800] =	vst v63  }
0x93: {  	_ = 	snop  }
0x94: {  	[tilespmem:s18], [sflag:$0x1] =	stream.indirect.gather [hbm4b:s11+s12], $0x20, s14, s12, $0xb8;
	[tilespmem:$0x8800] =	vst v63  }
0x95: {  	_ = 	snop  }
0x96: {  	[tilespmem:s19], [sflag:$0x1] =	stream.indirect.gather [hbm4b:s9+s12], $0x1, s12, s12, $0xb8;
	[tilespmem:$0x8800] =	vst v63  }
0x97: {  	_ = 	snop  }
0x98: {  	[tilespmem:s20], [sflag:$0x1] =	stream.indirect.gather [hbm4b:s9+s12], $0x1, s14, s12, $0xb8;
	[tilespmem:$0x8800] =	vst v63  }
0x99: {  	_ = 	snop  }
0x9a: {  	[tilespmem:s22], [sflag:$0x1] =	stream.indirect.gather [hbm4b:s11+s12], $0x20, s15, s12, $0xb8;
	[tilespmem:$0x8800] =	vst v63  }
0x9b: {  	_ = 	snop  }
0x9c: {  	[tilespmem:s23], [sflag:$0x1] =	stream.indirect.gather [hbm4b:s11+s12], $0x20, s17, s12, $0xb8;
	[tilespmem:$0x8800] =	vst v63  }
0x9d: {  	_ = 	snop  }
0x9e: {  	[tilespmem:s24], [sflag:$0x1] =	stream.indirect.gather [hbm4b:s9+s12], $0x1, s15, s12, $0xb8;
	[tilespmem:$0x8800] =	vst v63  }
0x9f: {  	_ = 	snop  }
0xa0: {  	[tilespmem:s25], [sflag:$0x1] =	stream.indirect.gather [hbm4b:s9+s12], $0x1, s17, s12, $0xb8;
	[tilespmem:$0x8800] =	vst v63  }
0xa1: {  	_ = 	snop  }
0xa2: {  	[tilespmem:s28], [sflag:$0x1] =	stream.indirect.gather [hbm4b:s11+s12], $0x20, s21, s12, $0xb8;
	[tilespmem:$0x8800] =	vst v63  }
0xa3: {  	_ = 	snop  }
0xa4: {  	[tilespmem:s29], [sflag:$0x1] =	stream.indirect.gather [hbm4b:s11+s12], $0x20, s26, s12, $0xb8;
	[tilespmem:$0x8800] =	vst v63  }
0xa5: {  	_ = 	snop  }
0xa6: {  	[tilespmem:s30], [sflag:$0x1] =	stream.indirect.gather [hbm4b:s9+s12], $0x1, s21, s12, $0xb8;
	[tilespmem:$0x8800] =	vst v63  }
0xa7: {  	_ = 	snop  }
0xa8: {  	[tilespmem:s31], [sflag:$0x1] =	stream.indirect.gather [hbm4b:s9+s12], $0x1, s26, s12, $0xb8;
	[tilespmem:$0x8800] =	vst v63  }
0xa9: {  	_ =	swait.ge [sflag:s10], $0x1000  }
0xaa: {  	[sflag:s10] =	ssyncset.done $0x0  }
0xab: {  	[sflag:s10] =	ssyncadd.s32 $0xFFFFF000  }
0xac: {  	_ =	swait.ge [sflag:s10], $0x1000  }
0xad: {  	[sflag:s10] =	ssyncset.done $0x0  }
0xae: {  	[sflag:s10] =	ssyncadd.s32 $0xFFFFF000  }
0xaf: {  	_ =	swait.ge [sflag:s10], $0x80  }
0xb0: {  	[sflag:s10] =	ssyncset.done $0x0  }
0xb1: {  	[sflag:s10] =	ssyncadd.s32 $0xFFFFFF80  }
0xb2: {  	_ =	swait.ge [sflag:s10], $0x80  }
0xb3: {  	[sflag:s10] =	ssyncset.done $0x0  }
0xb4: {  	[sflag:s10] =	ssyncadd.s32 $0xFFFFFF80  }
0xb5: {  	_ =	swait.ge [sflag:s10], $0x1000  }
0xb6: {  	[sflag:s10] =	ssyncset.done $0x0  }
0xb7: {  	[sflag:s10] =	ssyncadd.s32 $0xFFFFF000  }
0xb8: {  	_ =	swait.ge [sflag:s10], $0x1000  }
0xb9: {  	[sflag:s10] =	ssyncset.done $0x0  }
0xba: {  	[sflag:s10] =	ssyncadd.s32 $0xFFFFF000  }
0xbb: {  	_ =	swait.ge [sflag:s10], $0x80  }
0xbc: {  	[sflag:s10] =	ssyncset.done $0x0  }
0xbd: {  	[sflag:s10] =	ssyncadd.s32 $0xFFFFFF80  }
0xbe: {  	_ =	swait.ge [sflag:s10], $0x80  }
0xbf: {  	[sflag:s10] =	ssyncset.done $0x0  }
0xc0: {  	[sflag:s10] =	ssyncadd.s32 $0xFFFFFF80  }
0xc1: {  	_ =	swait.ge [sflag:s10], $0x1000  }
0xc2: {  	[sflag:s10] =	ssyncset.done $0x0  }
0xc3: {  	[sflag:s10] =	ssyncadd.s32 $0xFFFFF000  }
0xc4: {  	_ =	swait.ge [sflag:s10], $0x1000  }
0xc5: {  	[sflag:s10] =	ssyncset.done $0x0  }
0xc6: {  	[sflag:s10] =	ssyncadd.s32 $0xFFFFF000  }
0xc7: {  	_ =	swait.ge [sflag:s10], $0x80  }
0xc8: {  	[sflag:s10] =	ssyncset.done $0x0  }
0xc9: {  	[sflag:s10] =	ssyncadd.s32 $0xFFFFFF80  }
0xca: {  	_ =	swait.ge [sflag:s10], $0x80  }
0xcb: {  	[sflag:s10] =	ssyncset.done $0x0  }
0xcc: {  	[sflag:s10] =	ssyncadd.s32 $0xFFFFFF80  }
0xcd: {  	_ =	swait.ge [sflag:s10], $0x1000  }
0xce: {  	[sflag:s10] =	ssyncset.done $0x0  }
0xcf: {  	[sflag:s10] =	ssyncadd.s32 $0xFFFFF000  }
0xd0: {  	_ =	swait.ge [sflag:s10], $0x1000  }
0xd1: {  	[sflag:s10] =	ssyncset.done $0x0  }
0xd2: {  	[sflag:s10] =	ssyncadd.s32 $0xFFFFF000  }
0xd3: {  	_ =	swait.ge [sflag:s10], $0x80  }
0xd4: {  	[sflag:s10] =	ssyncset.done $0x0  }
0xd5: {  	[sflag:s10] =	ssyncadd.s32 $0xFFFFFF80  }
0xd6: {  	_ =	swait.ge [sflag:s10], $0x80  }
0xd7: {  	[sflag:s10] =	ssyncset.done $0x0  }
0xd8: {  	s0 =	rddreg [dreg:$0xb];
	[sflag:s10] =	ssyncadd.s32 $0xFFFFFF80  }
0xd9: {  	[hbm4b:s0+s2] =	stream.linear.scatter [tilespmem:s8], [sflag:$0x2], $0x4000, $0x38;
	[tilespmem:$0x8800] =	vst v63  }
0xda: {  	_ =	swait.ge [sflag:s3], $0x4000  }
0xdb: {  	[sflag:s3] =	ssyncset.done $0x0  }
0xdc: {  	s0 =	rddreg [dreg:$0xc];
	[sflag:s3] =	ssyncadd.s32 $0xFFFFC000  }
0xdd: {  	[hbm4b:s0+s2] =	stream.linear.scatter [tilespmem:s7], [sflag:$0x2], $0x4000, $0x38;
	[tilespmem:$0x8800] =	vst v63  }
0xde: {  	_ =	swait.ge [sflag:s3], $0x4000  }
0xdf: {  	[sflag:s3] =	ssyncset.done $0x0  }
0xe0: {  	s0 =	rddreg [dreg:$0xd];
	[sflag:s3] =	ssyncadd.s32 $0xFFFFC000  }
0xe1: {  	[hbm4b:s0+s2] =	stream.linear.scatter [tilespmem:s6], [sflag:$0x2], $0x200, $0x38;
	[tilespmem:$0x8800] =	vst v63  }
0xe2: {  	p1 =	sne.s32 s1, $0x1;
	_ =	swait.ge [sflag:s3], $0x200  }
.Ltmp2:
0xe3: {  	[sflag:s3] =	ssyncset.done $0x0;
	(pc) =	sbr.rel @p1 .LBB2_2-.Ltmp2, $4  }
0xe4: {  	[sflag:s3] =	ssyncadd.s32 $0xFFFFFE00  }
0xe5: {  	[hbm4b:s4+s2] =	stream.linear.scatter [tilespmem:s5], [sflag:$0x2], $0x200, $0x38;
	[tilespmem:$0x8800] =	vst v63  }
0xe6: {  	_ =	swait.ge [sflag:s3], $0x200  }
0xe7: {  	s1 =	sadd.s32 $0xFFFFFFFF, s1;
	s0 =	rddreg [dreg:$0x9];
	[sflag:s3] =	ssyncset.done $0x0  }
.LBB2_3:
0xe8: {  	[sflag:s3] =	ssyncadd.s32 @p0 $0xFFFFFE00  }
0xe9: {  	[tilespmem:s2], [sflag:$0x2] =	stream.linear.gather [hbm4b:s0+s2], $0x200, $0x38;
	[tilespmem:$0x8800] =	vst v63  }
0xea: {  	_ =	swait.ge [sflag:s3], $0x200  }
0xeb: {  	[sflag:s3] =	ssyncset.done $0x0  }
0xec: {  	s1 =	rddreg [dreg:$0xa];
	[sflag:s3] =	ssyncadd.s32 $0xFFFFFE00  }
0xed: {  	[tilespmem:s13], [sflag:$0x2] =	stream.linear.gather [hbm4b:s1+s2], $0x200, $0x38;
	[tilespmem:$0x8800] =	vst v63  }
0xee: {  	_ =	swait.ge [sflag:s3], $0x200  }
0xef: {  	[sflag:s3] =	ssyncset.done $0x0  }
0xf0: {  	[sflag:s3] =	ssyncadd.s32 $0xFFFFFE00  }
0xf1: {  	[tilespmem:s8], [sflag:$0x1] =	stream.indirect.gather [hbm4b:s11+s12], $0x20, s2, s12, $0xb8;
	[tilespmem:$0x8800] =	vst v63  }
0xf2: {  	_ = 	snop  }
0xf3: {  	[tilespmem:s7], [sflag:$0x1] =	stream.indirect.gather [hbm4b:s11+s12], $0x20, s13, s12, $0xb8;
	[tilespmem:$0x8800] =	vst v63  }
0xf4: {  	_ = 	snop  }
0xf5: {  	[tilespmem:s6], [sflag:$0x1] =	stream.indirect.gather [hbm4b:s9+s12], $0x1, s2, s12, $0xb8;
	[tilespmem:$0x8800] =	vst v63  }
0xf6: {  	_ = 	snop  }
0xf7: {  	[tilespmem:s5], [sflag:$0x1] =	stream.indirect.gather [hbm4b:s9+s12], $0x1, s13, s12, $0xb8;
	[tilespmem:$0x8800] =	vst v63  }
0xf8: {  	_ = 	snop  }
0xf9: {  	[tilespmem:s16], [sflag:$0x1] =	stream.indirect.gather [hbm4b:s11+s12], $0x20, s12, s12, $0xb8;
	[tilespmem:$0x8800] =	vst v63  }
0xfa: {  	_ = 	snop  }
0xfb: {  	[tilespmem:s18], [sflag:$0x1] =	stream.indirect.gather [hbm4b:s11+s12], $0x20, s14, s12, $0xb8;
	[tilespmem:$0x8800] =	vst v63  }
0xfc: {  	_ = 	snop  }
0xfd: {  	[tilespmem:s19], [sflag:$0x1] =	stream.indirect.gather [hbm4b:s9+s12], $0x1, s12, s12, $0xb8;
	[tilespmem:$0x8800] =	vst v63  }
0xfe: {  	_ = 	snop  }
0xff: {  	[tilespmem:s20], [sflag:$0x1] =	stream.indirect.gather [hbm4b:s9+s12], $0x1, s14, s12, $0xb8;
	[tilespmem:$0x8800] =	vst v63  }
0x100: {  	_ = 	snop  }
0x101: {  	[tilespmem:s22], [sflag:$0x1] =	stream.indirect.gather [hbm4b:s11+s12], $0x20, s15, s12, $0xb8;
	[tilespmem:$0x8800] =	vst v63  }
0x102: {  	_ = 	snop  }
0x103: {  	[tilespmem:s23], [sflag:$0x1] =	stream.indirect.gather [hbm4b:s11+s12], $0x20, s17, s12, $0xb8;
	[tilespmem:$0x8800] =	vst v63  }
0x104: {  	_ = 	snop  }
0x105: {  	[tilespmem:s24], [sflag:$0x1] =	stream.indirect.gather [hbm4b:s9+s12], $0x1, s15, s12, $0xb8;
	[tilespmem:$0x8800] =	vst v63  }
0x106: {  	_ = 	snop  }
0x107: {  	[tilespmem:s25], [sflag:$0x1] =	stream.indirect.gather [hbm4b:s9+s12], $0x1, s17, s12, $0xb8;
	[tilespmem:$0x8800] =	vst v63  }
0x108: {  	_ = 	snop  }
0x109: {  	[tilespmem:s28], [sflag:$0x1] =	stream.indirect.gather [hbm4b:s11+s12], $0x20, s21, s12, $0xb8;
	[tilespmem:$0x8800] =	vst v63  }
0x10a: {  	_ = 	snop  }
0x10b: {  	[tilespmem:s29], [sflag:$0x1] =	stream.indirect.gather [hbm4b:s11+s12], $0x20, s26, s12, $0xb8;
	[tilespmem:$0x8800] =	vst v63  }
0x10c: {  	_ = 	snop  }
0x10d: {  	[tilespmem:s30], [sflag:$0x1] =	stream.indirect.gather [hbm4b:s9+s12], $0x1, s21, s12, $0xb8;
	[tilespmem:$0x8800] =	vst v63  }
0x10e: {  	_ = 	snop  }
0x10f: {  	[tilespmem:s31], [sflag:$0x1] =	stream.indirect.gather [hbm4b:s9+s12], $0x1, s26, s12, $0xb8;
	[tilespmem:$0x8800] =	vst v63  }
0x110: {  	_ =	swait.ge [sflag:s10], $0x1000  }
0x111: {  	[sflag:s10] =	ssyncset.done $0x0  }
0x112: {  	[sflag:s10] =	ssyncadd.s32 $0xFFFFF000  }
0x113: {  	_ =	swait.ge [sflag:s10], $0x1000  }
0x114: {  	[sflag:s10] =	ssyncset.done $0x0  }
0x115: {  	[sflag:s10] =	ssyncadd.s32 $0xFFFFF000  }
0x116: {  	_ =	swait.ge [sflag:s10], $0x80  }
0x117: {  	[sflag:s10] =	ssyncset.done $0x0  }
0x118: {  	[sflag:s10] =	ssyncadd.s32 $0xFFFFFF80  }
0x119: {  	_ =	swait.ge [sflag:s10], $0x80  }
0x11a: {  	[sflag:s10] =	ssyncset.done $0x0  }
0x11b: {  	[sflag:s10] =	ssyncadd.s32 $0xFFFFFF80  }
0x11c: {  	_ =	swait.ge [sflag:s10], $0x1000  }
0x11d: {  	[sflag:s10] =	ssyncset.done $0x0  }
0x11e: {  	[sflag:s10] =	ssyncadd.s32 $0xFFFFF000  }
0x11f: {  	_ =	swait.ge [sflag:s10], $0x1000  }
0x120: {  	[sflag:s10] =	ssyncset.done $0x0  }
0x121: {  	[sflag:s10] =	ssyncadd.s32 $0xFFFFF000  }
0x122: {  	_ =	swait.ge [sflag:s10], $0x80  }
0x123: {  	[sflag:s10] =	ssyncset.done $0x0  }
0x124: {  	[sflag:s10] =	ssyncadd.s32 $0xFFFFFF80  }
0x125: {  	_ =	swait.ge [sflag:s10], $0x80  }
0x126: {  	[sflag:s10] =	ssyncset.done $0x0  }
0x127: {  	[sflag:s10] =	ssyncadd.s32 $0xFFFFFF80  }
0x128: {  	_ =	swait.ge [sflag:s10], $0x1000  }
0x129: {  	[sflag:s10] =	ssyncset.done $0x0  }
0x12a: {  	[sflag:s10] =	ssyncadd.s32 $0xFFFFF000  }
0x12b: {  	_ =	swait.ge [sflag:s10], $0x1000  }
0x12c: {  	[sflag:s10] =	ssyncset.done $0x0  }
0x12d: {  	[sflag:s10] =	ssyncadd.s32 $0xFFFFF000  }
0x12e: {  	_ =	swait.ge [sflag:s10], $0x80  }
0x12f: {  	[sflag:s10] =	ssyncset.done $0x0  }
0x130: {  	[sflag:s10] =	ssyncadd.s32 $0xFFFFFF80  }
0x131: {  	_ =	swait.ge [sflag:s10], $0x80  }
0x132: {  	[sflag:s10] =	ssyncset.done $0x0  }
0x133: {  	[sflag:s10] =	ssyncadd.s32 $0xFFFFFF80  }
0x134: {  	_ =	swait.ge [sflag:s10], $0x1000  }
0x135: {  	[sflag:s10] =	ssyncset.done $0x0  }
0x136: {  	[sflag:s10] =	ssyncadd.s32 $0xFFFFF000  }
0x137: {  	_ =	swait.ge [sflag:s10], $0x1000  }
0x138: {  	[sflag:s10] =	ssyncset.done $0x0  }
0x139: {  	[sflag:s10] =	ssyncadd.s32 $0xFFFFF000  }
0x13a: {  	_ =	swait.ge [sflag:s10], $0x80  }
0x13b: {  	[sflag:s10] =	ssyncset.done $0x0  }
0x13c: {  	[sflag:s10] =	ssyncadd.s32 $0xFFFFFF80  }
0x13d: {  	_ =	swait.ge [sflag:s10], $0x80  }
0x13e: {  	[sflag:s10] =	ssyncset.done $0x0  }
0x13f: {  	s28 =	rddreg [dreg:$0xb];
	[sflag:s10] =	ssyncadd.s32 $0xFFFFFF80  }
0x140: {  	[hbm4b:s28+s2] =	stream.linear.scatter [tilespmem:s8], [sflag:$0x2], $0x4000, $0x38;
	[tilespmem:$0x8800] =	vst v63  }
0x141: {  	_ =	swait.ge [sflag:s3], $0x4000  }
0x142: {  	[sflag:s3] =	ssyncset.done $0x0  }
0x143: {  	s29 =	rddreg [dreg:$0xc];
	[sflag:s3] =	ssyncadd.s32 $0xFFFFC000  }
0x144: {  	[hbm4b:s29+s2] =	stream.linear.scatter [tilespmem:s7], [sflag:$0x2], $0x4000, $0x38;
	[tilespmem:$0x8800] =	vst v63  }
0x145: {  	_ =	swait.ge [sflag:s3], $0x4000  }
0x146: {  	[sflag:s3] =	ssyncset.done $0x0  }
0x147: {  	s30 =	rddreg [dreg:$0xd];
	[sflag:s3] =	ssyncadd.s32 $0xFFFFC000  }
0x148: {  	[hbm4b:s30+s2] =	stream.linear.scatter [tilespmem:s6], [sflag:$0x2], $0x200, $0x38;
	[tilespmem:$0x8800] =	vst v63  }
0x149: {  	_ =	swait.ge [sflag:s3], $0x200  }
0x14a: {  	[sflag:s3] =	ssyncset.done $0x0  }
0x14b: {  	[sflag:s3] =	ssyncadd.s32 $0xFFFFFE00  }
0x14c: {  	[hbm4b:s4+s2] =	stream.linear.scatter [tilespmem:s5], [sflag:$0x2], $0x200, $0x38;
	[tilespmem:$0x8800] =	vst v63  }
0x14d: {  	_ =	swait.ge [sflag:s3], $0x200  }
0x14e: {  	[sflag:s3] =	ssyncset.done $0x0  }
0x14f: {  	[sflag:s3] =	ssyncadd.s32 $0xFFFFFE00  }
0x150: {  	_ =	sfence.sel $0x180000  }
0x151: {  	[bflag:$0x0] =	sbarrier.arrive $0xFFFF  }
0x152: {  	_ =	strace $0x90000047  }
0x153: {  	s31 =	stileid.u32;
	[bflag:$0x2] =	sbarrier.arrive $0xFFFF  }
0x154: {  	p0 =	sne.s32 s31, $0x0;
	s0 =	rddreg [dreg:$0x8]  }
0x155: {  	s0 =	sadd.s32 @!p0 $0x100000, s0  }
0x156: {  	[sflag:s0] =	ssyncadd.tile.s32 @!p0 $0x1;
	_ =	shalt  }
.Lfunc_end2:
_tile_overlayer_lowered:
.L_overlay_start_2:
0x157: {  	(tag) =	ssettag $0x2  }
0x158: {  	s0 =	rddreg [dreg:$0x0];
	s2 =	stileid.u32  }
0x159: {  	s1 =	rddreg [dreg:$0x1];
	p0 =	sne.s32 s2, $0x0  }
0x15a: {  	s3 =	rddreg [dreg:$0x2];
	[bflag:$0x3] =	sbarrier.arrive $0xFFFF;
	s2 =	simm.s32 @!p0 $0x1C02  }
0x15b: {  	[timem:s3], [sflag:s2] =	dma.local @!p0 [hbm:s0], s1  }
0x15c: {  	s0 =	simm.s32 @!p0 $0x2  }
0x15d: {  	_ =	swait.ge @!p0 [sflag:s0], s1  }
0x15e: {  	s1 =	ssub.s32 @!p0 $0x0, s1;
	[sflag:s0] =	ssyncset.done @!p0 $0x0  }
0x15f: {  	[sflag:s0] =	ssyncadd.s32 @!p0 s1  }
0x160: {  	[bflag:$0x3] =	sbarrier.arrive $0xFFFF  }
0x161: {  	_ =	shalt  }

</sc_bundles>
